<compile_context>
chip_gen: v7x
topology: tpu7x:2x2x1
jax: 0.10.2.dev20260603
libtpu: 0.0.44.dev20260713+nightly
codegen_flags: <defaults>
</compile_context>

<pallas_src>
import functools

import jax
import jax.numpy as jnp
from jax import lax
from jax.experimental import pallas as pl
from jax.experimental.pallas import tpu as pltpu
from jax.experimental.pallas import tpu_sc as plsc

PACKET = 4
LANES = 16
NUM_CORES = 2
NUM_SUBCORES = 16
NW = NUM_CORES * NUM_SUBCORES
NCHUNK = 4


def kernel(b1, b2, b3, indices):
    B = b1.shape[0]
    S = b1.shape[1]
    C = b1.shape[2]
    F = S * C
    N = 3 * F
    CHUNK = N // NCHUNK
    CT = C // 128

    def view5(x):
        return (x.transpose(1, 0, 2)
                 .reshape(S, B // 8, 8, CT, 128)
                 .transpose(0, 1, 3, 2, 4))

    v1, v2, v3 = view5(b1), view5(b2), view5(b3)
    idx3 = lax.bitcast_convert_type(indices, jnp.float32).reshape(
        3 * S, CT, 128)

    rows_per_w = B // NW
    pairs = rows_per_w // 2

    mesh = plsc.VectorSubcoreMesh(core_axis_name="c", subcore_axis_name="s")

    @functools.partial(
        pl.kernel,
        mesh=mesh,
        out_type=jax.ShapeDtypeStruct((B * N // 128, 128), jnp.float32),
        scratch_types=[
            pltpu.VMEM((N,), jnp.int32),
            pltpu.VMEM((3 * S, CT, 128), jnp.float32),
            pltpu.VMEM((3 * S, CT, 128), jnp.float32),
            pltpu.VMEM((CHUNK // 128, 128), jnp.float32),
            pltpu.VMEM((CHUNK // 128, 128), jnp.float32),
            pltpu.SemaphoreType.DMA,
            pltpu.SemaphoreType.DMA,
            pltpu.SemaphoreType.DMA,
            pltpu.SemaphoreType.DMA,
        ],
        compiler_params=pltpu.CompilerParams(needs_layout_passes=False),
    )
    def interleave(v1_hbm, v2_hbm, v3_hbm, idx_hbm, out_hbm,
                   idx_v, in0, in1, ob0, ob1, is0, is1, os0, os1):
        wid = lax.axis_index("s") * NUM_CORES + lax.axis_index("c")
        row0 = wid * rows_per_w
        lanes = lax.iota(jnp.int32, LANES)

        pltpu.sync_copy(idx_hbm, in0)

        @plsc.parallel_loop(0, N // LANES, 1, unroll=8)
        def _xform(kv):
            tj = kv >> 5
            rem = kv & 31
            p = rem >> 3
            jbase = (rem & 7) * LANES
            n = tj * 512 + 4 * (jbase + lanes) + p
            raw = plsc.load_gather(
                in0, [n >> 12, (n >> 7) & (CT - 1), n & 127])
            idx_v[pl.ds(kv * LANES, LANES)] = plsc.bitcast(raw, jnp.int32)

        def start_in(r, inbuf, sem):
            rt = r >> 3
            ri = r & 7
            pltpu.async_copy(v1_hbm.at[:, rt, :, ri, :],
                             inbuf.at[pl.ds(0, S)], sem)
            pltpu.async_copy(v2_hbm.at[:, rt, :, ri, :],
                             inbuf.at[pl.ds(S, S)], sem)
            pltpu.async_copy(v3_hbm.at[:, rt, :, ri, :],
                             inbuf.at[pl.ds(2 * S, S)], sem)

        def wait_in(r, inbuf, sem):
            rt = r >> 3
            ri = r & 7
            pltpu.make_async_copy(v1_hbm.at[:, rt, :, ri, :],
                                  inbuf.at[pl.ds(0, S)], sem).wait()
            pltpu.make_async_copy(v2_hbm.at[:, rt, :, ri, :],
                                  inbuf.at[pl.ds(S, S)], sem).wait()
            pltpu.make_async_copy(v3_hbm.at[:, rt, :, ri, :],
                                  inbuf.at[pl.ds(2 * S, S)], sem).wait()

        def gather_chunk(inbuf, outbuf, c):
            @plsc.parallel_loop(0, CHUNK // LANES, 1, unroll=8)
            def _gather(j):
                tidx = idx_v[pl.ds(c * CHUNK + j * LANES, LANES)]
                outbuf[j >> 3, pl.ds((j & 7) * LANES, LANES)] = (
                    plsc.load_gather(
                        inbuf,
                        [tidx >> 12, (tidx >> 7) & (CT - 1), tidx & 127]))

        def out_slice(r, c):
            return out_hbm.at[
                pl.ds(r * (N // 128) + c * (CHUNK // 128), CHUNK // 128), :]

        def drain_out(r, c, outbuf, sem):
            pltpu.make_async_copy(outbuf, out_slice(r, c), sem).wait()

        start_in(row0, in0, is0)
        start_in(row0 + 1, in1, is1)

        def pair_body(p, carry):
            for half, (inbuf, isem) in enumerate(((in0, is0), (in1, is1))):
                r = row0 + 2 * p + half
                wait_in(r, inbuf, isem)
                for c in range(NCHUNK):
                    outbuf, osem = (ob0, os0) if c % 2 == 0 else (ob1, os1)
                    g = half * NCHUNK + c
                    if g >= 2:
                        pc = (g - 2) % NCHUNK
                        prev_row = row0 + 2 * p + (g - 2) // NCHUNK
                        drain_out(prev_row, pc, outbuf, osem)
                    else:
                        @pl.when(p > 0)
                        def _():
                            drain_out(row0 + 2 * p - 1, c + 2, outbuf, osem)
                    gather_chunk(inbuf, outbuf, c)
                    pltpu.async_copy(outbuf, out_slice(r, c), osem)
                nxt = r + 2
                @pl.when(nxt < row0 + rows_per_w)
                def _():
                    start_in(nxt, inbuf, isem)
            return carry

        lax.fori_loop(0, pairs, pair_body, 0)

        last = row0 + rows_per_w - 1
        drain_out(last, 2, ob0, os0)
        drain_out(last, 3, ob1, os1)

    out = interleave(v1, v2, v3, idx3)
    return (out.reshape(B, N // (PACKET * 128), PACKET, 128)
               .transpose(0, 1, 3, 2)
               .reshape(B, N // PACKET, PACKET))

# --- scband reference (transcript-rebuilt; emitter-appended) ---
"""Pipeline reference for scband-interleaver-2662879724282 (READ-ONLY COPY).

The authoritative reference and input builder live on the scoring server;
editing this copy changes nothing except your own understanding.
"""

import jax, jax.numpy as jnp
import numpy as np

PACKET_SIZE = 4
B = 1024
N = 3 * 3 * 64 * 64  # 36864 total features after concat of the three streams


def setup_inputs(seed: int = 0) -> dict:
    key = jax.random.key(seed)
    k1, k2, k3, k4 = jax.random.split(key, 4)
    b1 = jax.random.normal(k1, (B, 3, 4096), dtype=jnp.float32)
    b2 = jax.random.normal(k2, (B, 3, 4096), dtype=jnp.float32)
    b3 = jax.random.normal(k3, (B, 3, 4096), dtype=jnp.float32)
    # torch.randperm(N) equivalent: a fixed random permutation of feature positions
    indices = jax.random.permutation(k4, N).astype(jnp.int32)
    return {"b1": b1, "b2": b2, "b3": b3, "indices": indices}


def reference(b1, b2, b3, indices):
    # Faithful translation of Interleaver.interleave:
    #   flatten each stream to [B, -1], concat along features,
    #   gather all features through the permutation (vectorized version of
    #   the per-row python loop, which applies the SAME indices to every row),
    #   then reshape into packets of size PACKET_SIZE.
    Bs = b1.shape[0]
    f1 = b1.reshape(Bs, -1)
    f2 = b2.reshape(Bs, -1)
    f3 = b3.reshape(Bs, -1)
    batch = jnp.concatenate((f1, f2, f3), axis=1)  # [B, N]
    shuffled = jnp.take(batch, indices, axis=1)    # gather along feature dim
    shuffled = shuffled.reshape(Bs, -1, PACKET_SIZE)
    return shuffled

if __name__ == "__main__":
    import jax
    _d = setup_inputs()
    print(jax.jit(kernel)(*tuple(_d.values())))

</pallas_src>

<mosaic_0001>
#map = affine_map<(d0, d1) -> (0, 0, 0, 0, 0)>
#map1 = affine_map<(d0, d1) -> (0, 0, 0)>
#map2 = affine_map<(d0, d1) -> (0, 0)>
module attributes {stable_mosaic.version = 14 : i64} {
  func.func @interleave(%arg0: i32, %arg1: i32, %arg2: memref<3x128x32x8x128xf32, #tpu.memory_space<hbm>>, %arg3: memref<3x128x32x8x128xf32, #tpu.memory_space<hbm>>, %arg4: memref<3x128x32x8x128xf32, #tpu.memory_space<hbm>>, %arg5: memref<9x32x128xf32, #tpu.memory_space<hbm>>, %arg6: memref<294912x128xf32, #tpu.memory_space<hbm>>, %arg7: memref<36864xi32, #tpu.memory_space<vmem>>, %arg8: memref<9x32x128xf32, #tpu.memory_space<vmem>>, %arg9: memref<9x32x128xf32, #tpu.memory_space<vmem>>, %arg10: memref<72x128xf32, #tpu.memory_space<vmem>>, %arg11: memref<72x128xf32, #tpu.memory_space<vmem>>, %arg12: memref<!tpu.dma_semaphore, #tpu.memory_space<semaphore_mem>>, %arg13: memref<!tpu.dma_semaphore, #tpu.memory_space<semaphore_mem>>, %arg14: memref<!tpu.dma_semaphore, #tpu.memory_space<semaphore_mem>>, %arg15: memref<!tpu.dma_semaphore, #tpu.memory_space<semaphore_mem>>) attributes {dimension_semantics = [#tpu.dimension_semantics<core_parallel>, #tpu.dimension_semantics<subcore_parallel>], iteration_bounds = array<i64: 2, 16>, scalar_prefetch = 0 : i64, scratch_operands = 9 : i64, tpu.core_type = #tpu.core_type<sc_vector_subcore>, window_params = [{transform_indices = #map}, {transform_indices = #map}, {transform_indices = #map}, {transform_indices = #map1}, {transform_indices = #map2}]} {
    %mul3A = arith.constant 2 : i32
    %mul3A_0 = arith.muli %arg1, %mul3A : i32
    %add3A = arith.addi %mul3A_0, %arg0 : i32
    %mul3A_1 = arith.constant 32 : i32
    %mul3A_2 = arith.muli %add3A, %mul3A_1 : i32
    %iota3A = tpu.iota {dimensions = array<i32: 0>} : vector<16xi32>
    "tpu.region"() ({
      %run_scoped3A = tpu.sem_alloc : memref<!tpu.dma_semaphore, #tpu.memory_space<semaphore_mem>>
      tpu.enqueue_dma source(%arg5 : memref<9x32x128xf32, #tpu.memory_space<hbm>>) target(%arg8 : memref<9x32x128xf32, #tpu.memory_space<vmem>>) target_semaphore(%run_scoped3A : memref<!tpu.dma_semaphore, #tpu.memory_space<semaphore_mem>>)
      tpu.wait_dma2 semaphore(%run_scoped3A : memref<!tpu.dma_semaphore, #tpu.memory_space<semaphore_mem>>) src(%arg5 : memref<9x32x128xf32, #tpu.memory_space<hbm>>) dst(%arg8 : memref<9x32x128xf32, #tpu.memory_space<vmem>>)
      tpu.yield
    }) : () -> ()
    %parallel_loop3A = arith.constant 0 : i32
    %parallel_loop3A_3 = arith.constant 2304 : i32
    %parallel_loop3A_4 = arith.constant 1 : i32
    scf.for %parallel_loop3A_143 = %parallel_loop3A to %parallel_loop3A_3 step %parallel_loop3A_4  : i32 {
      %parallel_loop3A_144 = arith.constant 5 : i32
      %parallel_loop3A_145 = arith.shrsi %parallel_loop3A_143, %parallel_loop3A_144 : i32
      %parallel_loop3A_146 = arith.constant 31 : i32
      %parallel_loop3A_147 = arith.andi %parallel_loop3A_143, %parallel_loop3A_146 : i32
      %parallel_loop3A_148 = arith.constant 3 : i32
      %parallel_loop3A_149 = arith.shrsi %parallel_loop3A_147, %parallel_loop3A_148 : i32
      %parallel_loop3A_150 = arith.constant 7 : i32
      %parallel_loop3A_151 = arith.andi %parallel_loop3A_147, %parallel_loop3A_150 : i32
      %parallel_loop3A_152 = arith.constant 16 : i32
      %parallel_loop3A_153 = arith.muli %parallel_loop3A_151, %parallel_loop3A_152 : i32
      %parallel_loop3A_154 = arith.constant 512 : i32
      %parallel_loop3A_155 = arith.muli %parallel_loop3A_145, %parallel_loop3A_154 : i32
      %parallel_loop3A_156 = vector.broadcast %parallel_loop3A_153 : i32 to vector<16xi32>
      %parallel_loop3A_157 = arith.addi %parallel_loop3A_156, %iota3A : vector<16xi32>
      %parallel_loop3A_158 = arith.constant 4 : i32
      %parallel_loop3A_159 = vector.broadcast %parallel_loop3A_158 : i32 to vector<16xi32>
      %parallel_loop3A_160 = arith.muli %parallel_loop3A_159, %parallel_loop3A_157 : vector<16xi32>
      %parallel_loop3A_161 = vector.broadcast %parallel_loop3A_155 : i32 to vector<16xi32>
      %parallel_loop3A_162 = arith.addi %parallel_loop3A_161, %parallel_loop3A_160 : vector<16xi32>
      %parallel_loop3A_163 = vector.broadcast %parallel_loop3A_149 : i32 to vector<16xi32>
      %parallel_loop3A_164 = arith.addi %parallel_loop3A_162, %parallel_loop3A_163 : vector<16xi32>
      %parallel_loop3A_165 = arith.constant 12 : i32
      %parallel_loop3A_166 = vector.broadcast %parallel_loop3A_165 : i32 to vector<16xi32>
      %parallel_loop3A_167 = arith.shrsi %parallel_loop3A_164, %parallel_loop3A_166 : vector<16xi32>
      %parallel_loop3A_168 = arith.constant 7 : i32
      %parallel_loop3A_169 = vector.broadcast %parallel_loop3A_168 : i32 to vector<16xi32>
      %parallel_loop3A_170 = arith.shrsi %parallel_loop3A_164, %parallel_loop3A_169 : vector<16xi32>
      %parallel_loop3A_171 = arith.constant 31 : i32
      %parallel_loop3A_172 = vector.broadcast %parallel_loop3A_171 : i32 to vector<16xi32>
      %parallel_loop3A_173 = arith.andi %parallel_loop3A_170, %parallel_loop3A_172 : vector<16xi32>
      %parallel_loop3A_174 = arith.constant 127 : i32
      %parallel_loop3A_175 = vector.broadcast %parallel_loop3A_174 : i32 to vector<16xi32>
      %parallel_loop3A_176 = arith.andi %parallel_loop3A_164, %parallel_loop3A_175 : vector<16xi32>
      %parallel_loop3A_177 = tpu.vector_load_idx %arg8[%parallel_loop3A_167, %parallel_loop3A_173, %parallel_loop3A_176] : memref<9x32x128xf32, #tpu.memory_space<vmem>>[vector<16xi32>, vector<16xi32>, vector<16xi32>], vector<16xf32>,
      %parallel_loop3A_178 = vector.bitcast %parallel_loop3A_177 : vector<16xf32> to vector<16xi32>
      %parallel_loop3A_179 = arith.constant 16 : i32
      %parallel_loop3A_180 = arith.muli %parallel_loop3A_143, %parallel_loop3A_179 : i32
      %parallel_loop3A_181 = arith.index_cast %parallel_loop3A_180 : i32 to index
      %parallel_loop3A_182 = tpu.vector_load %arg7[%parallel_loop3A_181] {strides = array<i32>} : memref<36864xi32, #tpu.memory_space<vmem>>, vector<16xi32>,
      tpu.vector_store %arg7[%parallel_loop3A_181], %parallel_loop3A_178 {strides = array<i32>} : memref<36864xi32, #tpu.memory_space<vmem>>, vector<16xi32>,
    } {sc.loop_unroll_factor = 8 : i64, sc.parallel_access}
    %shift_right_arithmetic3A = arith.constant 3 : i32
    %shift_right_arithmetic3A_5 = arith.shrsi %mul3A_2, %shift_right_arithmetic3A : i32
    %and3A = arith.constant 7 : i32
    %and3A_6 = arith.andi %mul3A_2, %and3A : i32
    %dma_start3A = arith.constant 0 : i32
    %dma_start3A_7 = arith.constant 0 : i32
    %dma_start3A_8 = arith.constant 0 : i32
    %dma_start3A_9 = tpu.memref_slice %arg8[%dma_start3A, %dma_start3A_7, %dma_start3A_8] : memref<9x32x128xf32, #tpu.memory_space<vmem>> -> memref<3x32x128xf32, #tpu.memory_space<vmem>>
    %dma_start3A_10 = arith.constant 0 : i32
    %dma_start3A_11 = arith.constant 0 : i32
    %dma_start3A_12 = arith.constant 0 : i32
    %dma_start3A_13 = tpu.memref_slice %arg2[%dma_start3A_10, %shift_right_arithmetic3A_5, %dma_start3A_11, %and3A_6, %dma_start3A_12] : memref<3x128x32x8x128xf32, #tpu.memory_space<hbm>> -> memref<3x1x32x1x128xf32, #tpu.memory_space<hbm>>
    %dma_start3A_14 = tpu.memref_squeeze %dma_start3A_13 : memref<3x1x32x1x128xf32, #tpu.memory_space<hbm>> -> memref<3x32x128xf32, #tpu.memory_space<hbm>>
    %dma_start3A_15 = arith.constant 0 : i32
    %dma_start3A_16 = arith.constant 0 : i32
    %dma_start3A_17 = arith.constant 0 : i32
    %dma_start3A_18 = tpu.memref_slice %arg8[%dma_start3A_15, %dma_start3A_16, %dma_start3A_17] : memref<9x32x128xf32, #tpu.memory_space<vmem>> -> memref<3x32x128xf32, #tpu.memory_space<vmem>>
    %dma_start3A_19 = arith.constant 0 : i32
    %dma_start3A_20 = arith.constant 0 : i32
    %dma_start3A_21 = arith.constant 0 : i32
    %dma_start3A_22 = tpu.memref_slice %arg2[%dma_start3A_19, %shift_right_arithmetic3A_5, %dma_start3A_20, %and3A_6, %dma_start3A_21] : memref<3x128x32x8x128xf32, #tpu.memory_space<hbm>> -> memref<3x1x32x1x128xf32, #tpu.memory_space<hbm>>
    %dma_start3A_23 = tpu.memref_squeeze %dma_start3A_22 : memref<3x1x32x1x128xf32, #tpu.memory_space<hbm>> -> memref<3x32x128xf32, #tpu.memory_space<hbm>>
    tpu.enqueue_dma source(%dma_start3A_23 : memref<3x32x128xf32, #tpu.memory_space<hbm>>) target(%dma_start3A_18 : memref<3x32x128xf32, #tpu.memory_space<vmem>>) target_semaphore(%arg12 : memref<!tpu.dma_semaphore, #tpu.memory_space<semaphore_mem>>)
    %dma_start3A_24 = arith.constant 3 : i32
    %dma_start3A_25 = arith.constant 0 : i32
    %dma_start3A_26 = arith.constant 0 : i32
    %dma_start3A_27 = tpu.memref_slice %arg8[%dma_start3A_24, %dma_start3A_25, %dma_start3A_26] : memref<9x32x128xf32, #tpu.memory_space<vmem>> -> memref<3x32x128xf32, #tpu.memory_space<vmem>>
    %dma_start3A_28 = arith.constant 0 : i32
    %dma_start3A_29 = arith.constant 0 : i32
    %dma_start3A_30 = arith.constant 0 : i32
    %dma_start3A_31 = tpu.memref_slice %arg3[%dma_start3A_28, %shift_right_arithmetic3A_5, %dma_start3A_29, %and3A_6, %dma_start3A_30] : memref<3x128x32x8x128xf32, #tpu.memory_space<hbm>> -> memref<3x1x32x1x128xf32, #tpu.memory_space<hbm>>
    %dma_start3A_32 = tpu.memref_squeeze %dma_start3A_31 : memref<3x1x32x1x128xf32, #tpu.memory_space<hbm>> -> memref<3x32x128xf32, #tpu.memory_space<hbm>>
    %dma_start3A_33 = arith.constant 3 : i32
    %dma_start3A_34 = arith.constant 0 : i32
    %dma_start3A_35 = arith.constant 0 : i32
    %dma_start3A_36 = tpu.memref_slice %arg8[%dma_start3A_33, %dma_start3A_34, %dma_start3A_35] : memref<9x32x128xf32, #tpu.memory_space<vmem>> -> memref<3x32x128xf32, #tpu.memory_space<vmem>>
    %dma_start3A_37 = arith.constant 0 : i32
    %dma_start3A_38 = arith.constant 0 : i32
    %dma_start3A_39 = arith.constant 0 : i32
    %dma_start3A_40 = tpu.memref_slice %arg3[%dma_start3A_37, %shift_right_arithmetic3A_5, %dma_start3A_38, %and3A_6, %dma_start3A_39] : memref<3x128x32x8x128xf32, #tpu.memory_space<hbm>> -> memref<3x1x32x1x128xf32, #tpu.memory_space<hbm>>
    %dma_start3A_41 = tpu.memref_squeeze %dma_start3A_40 : memref<3x1x32x1x128xf32, #tpu.memory_space<hbm>> -> memref<3x32x128xf32, #tpu.memory_space<hbm>>
    tpu.enqueue_dma source(%dma_start3A_41 : memref<3x32x128xf32, #tpu.memory_space<hbm>>) target(%dma_start3A_36 : memref<3x32x128xf32, #tpu.memory_space<vmem>>) target_semaphore(%arg12 : memref<!tpu.dma_semaphore, #tpu.memory_space<semaphore_mem>>)
    %dma_start3A_42 = arith.constant 6 : i32
    %dma_start3A_43 = arith.constant 0 : i32
    %dma_start3A_44 = arith.constant 0 : i32
    %dma_start3A_45 = tpu.memref_slice %arg8[%dma_start3A_42, %dma_start3A_43, %dma_start3A_44] : memref<9x32x128xf32, #tpu.memory_space<vmem>> -> memref<3x32x128xf32, #tpu.memory_space<vmem>>
    %dma_start3A_46 = arith.constant 0 : i32
    %dma_start3A_47 = arith.constant 0 : i32
    %dma_start3A_48 = arith.constant 0 : i32
    %dma_start3A_49 = tpu.memref_slice %arg4[%dma_start3A_46, %shift_right_arithmetic3A_5, %dma_start3A_47, %and3A_6, %dma_start3A_48] : memref<3x128x32x8x128xf32, #tpu.memory_space<hbm>> -> memref<3x1x32x1x128xf32, #tpu.memory_space<hbm>>
    %dma_start3A_50 = tpu.memref_squeeze %dma_start3A_49 : memref<3x1x32x1x128xf32, #tpu.memory_space<hbm>> -> memref<3x32x128xf32, #tpu.memory_space<hbm>>
    %dma_start3A_51 = arith.constant 6 : i32
    %dma_start3A_52 = arith.constant 0 : i32
    %dma_start3A_53 = arith.constant 0 : i32
    %dma_start3A_54 = tpu.memref_slice %arg8[%dma_start3A_51, %dma_start3A_52, %dma_start3A_53] : memref<9x32x128xf32, #tpu.memory_space<vmem>> -> memref<3x32x128xf32, #tpu.memory_space<vmem>>
    %dma_start3A_55 = arith.constant 0 : i32
    %dma_start3A_56 = arith.constant 0 : i32
    %dma_start3A_57 = arith.constant 0 : i32
    %dma_start3A_58 = tpu.memref_slice %arg4[%dma_start3A_55, %shift_right_arithmetic3A_5, %dma_start3A_56, %and3A_6, %dma_start3A_57] : memref<3x128x32x8x128xf32, #tpu.memory_space<hbm>> -> memref<3x1x32x1x128xf32, #tpu.memory_space<hbm>>
    %dma_start3A_59 = tpu.memref_squeeze %dma_start3A_58 : memref<3x1x32x1x128xf32, #tpu.memory_space<hbm>> -> memref<3x32x128xf32, #tpu.memory_space<hbm>>
    tpu.enqueue_dma source(%dma_start3A_59 : memref<3x32x128xf32, #tpu.memory_space<hbm>>) target(%dma_start3A_54 : memref<3x32x128xf32, #tpu.memory_space<vmem>>) target_semaphore(%arg12 : memref<!tpu.dma_semaphore, #tpu.memory_space<semaphore_mem>>)
    %add3A_60 = arith.constant 1 : i32
    %add3A_61 = arith.addi %mul3A_2, %add3A_60 : i32
    %shift_right_arithmetic3A_62 = arith.constant 3 : i32
    %shift_right_arithmetic3A_63 = arith.shrsi %add3A_61, %shift_right_arithmetic3A_62 : i32
    %and3A_64 = arith.constant 7 : i32
    %and3A_65 = arith.andi %add3A_61, %and3A_64 : i32
    %dma_start3A_66 = arith.constant 0 : i32
    %dma_start3A_67 = arith.constant 0 : i32
    %dma_start3A_68 = arith.constant 0 : i32
    %dma_start3A_69 = tpu.memref_slice %arg9[%dma_start3A_66, %dma_start3A_67, %dma_start3A_68] : memref<9x32x128xf32, #tpu.memory_space<vmem>> -> memref<3x32x128xf32, #tpu.memory_space<vmem>>
    %dma_start3A_70 = arith.constant 0 : i32
    %dma_start3A_71 = arith.constant 0 : i32
    %dma_start3A_72 = arith.constant 0 : i32
    %dma_start3A_73 = tpu.memref_slice %arg2[%dma_start3A_70, %shift_right_arithmetic3A_63, %dma_start3A_71, %and3A_65, %dma_start3A_72] : memref<3x128x32x8x128xf32, #tpu.memory_space<hbm>> -> memref<3x1x32x1x128xf32, #tpu.memory_space<hbm>>
    %dma_start3A_74 = tpu.memref_squeeze %dma_start3A_73 : memref<3x1x32x1x128xf32, #tpu.memory_space<hbm>> -> memref<3x32x128xf32, #tpu.memory_space<hbm>>
    %dma_start3A_75 = arith.constant 0 : i32
    %dma_start3A_76 = arith.constant 0 : i32
    %dma_start3A_77 = arith.constant 0 : i32
    %dma_start3A_78 = tpu.memref_slice %arg9[%dma_start3A_75, %dma_start3A_76, %dma_start3A_77] : memref<9x32x128xf32, #tpu.memory_space<vmem>> -> memref<3x32x128xf32, #tpu.memory_space<vmem>>
    %dma_start3A_79 = arith.constant 0 : i32
    %dma_start3A_80 = arith.constant 0 : i32
    %dma_start3A_81 = arith.constant 0 : i32
    %dma_start3A_82 = tpu.memref_slice %arg2[%dma_start3A_79, %shift_right_arithmetic3A_63, %dma_start3A_80, %and3A_65, %dma_start3A_81] : memref<3x128x32x8x128xf32, #tpu.memory_space<hbm>> -> memref<3x1x32x1x128xf32, #tpu.memory_space<hbm>>
    %dma_start3A_83 = tpu.memref_squeeze %dma_start3A_82 : memref<3x1x32x1x128xf32, #tpu.memory_space<hbm>> -> memref<3x32x128xf32, #tpu.memory_space<hbm>>
    tpu.enqueue_dma source(%dma_start3A_83 : memref<3x32x128xf32, #tpu.memory_space<hbm>>) target(%dma_start3A_78 : memref<3x32x128xf32, #tpu.memory_space<vmem>>) target_semaphore(%arg13 : memref<!tpu.dma_semaphore, #tpu.memory_space<semaphore_mem>>)
    %dma_start3A_84 = arith.constant 3 : i32
    %dma_start3A_85 = arith.constant 0 : i32
    %dma_start3A_86 = arith.constant 0 : i32
    %dma_start3A_87 = tpu.memref_slice %arg9[%dma_start3A_84, %dma_start3A_85, %dma_start3A_86] : memref<9x32x128xf32, #tpu.memory_space<vmem>> -> memref<3x32x128xf32, #tpu.memory_space<vmem>>
    %dma_start3A_88 = arith.constant 0 : i32
    %dma_start3A_89 = arith.constant 0 : i32
    %dma_start3A_90 = arith.constant 0 : i32
    %dma_start3A_91 = tpu.memref_slice %arg3[%dma_start3A_88, %shift_right_arithmetic3A_63, %dma_start3A_89, %and3A_65, %dma_start3A_90] : memref<3x128x32x8x128xf32, #tpu.memory_space<hbm>> -> memref<3x1x32x1x128xf32, #tpu.memory_space<hbm>>
    %dma_start3A_92 = tpu.memref_squeeze %dma_start3A_91 : memref<3x1x32x1x128xf32, #tpu.memory_space<hbm>> -> memref<3x32x128xf32, #tpu.memory_space<hbm>>
    %dma_start3A_93 = arith.constant 3 : i32
    %dma_start3A_94 = arith.constant 0 : i32
    %dma_start3A_95 = arith.constant 0 : i32
    %dma_start3A_96 = tpu.memref_slice %arg9[%dma_start3A_93, %dma_start3A_94, %dma_start3A_95] : memref<9x32x128xf32, #tpu.memory_space<vmem>> -> memref<3x32x128xf32, #tpu.memory_space<vmem>>
    %dma_start3A_97 = arith.constant 0 : i32
    %dma_start3A_98 = arith.constant 0 : i32
    %dma_start3A_99 = arith.constant 0 : i32
    %dma_start3A_100 = tpu.memref_slice %arg3[%dma_start3A_97, %shift_right_arithmetic3A_63, %dma_start3A_98, %and3A_65, %dma_start3A_99] : memref<3x128x32x8x128xf32, #tpu.memory_space<hbm>> -> memref<3x1x32x1x128xf32, #tpu.memory_space<hbm>>
    %dma_start3A_101 = tpu.memref_squeeze %dma_start3A_100 : memref<3x1x32x1x128xf32, #tpu.memory_space<hbm>> -> memref<3x32x128xf32, #tpu.memory_space<hbm>>
    tpu.enqueue_dma source(%dma_start3A_101 : memref<3x32x128xf32, #tpu.memory_space<hbm>>) target(%dma_start3A_96 : memref<3x32x128xf32, #tpu.memory_space<vmem>>) target_semaphore(%arg13 : memref<!tpu.dma_semaphore, #tpu.memory_space<semaphore_mem>>)
    %dma_start3A_102 = arith.constant 6 : i32
    %dma_start3A_103 = arith.constant 0 : i32
    %dma_start3A_104 = arith.constant 0 : i32
    %dma_start3A_105 = tpu.memref_slice %arg9[%dma_start3A_102, %dma_start3A_103, %dma_start3A_104] : memref<9x32x128xf32, #tpu.memory_space<vmem>> -> memref<3x32x128xf32, #tpu.memory_space<vmem>>
    %dma_start3A_106 = arith.constant 0 : i32
    %dma_start3A_107 = arith.constant 0 : i32
    %dma_start3A_108 = arith.constant 0 : i32
    %dma_start3A_109 = tpu.memref_slice %arg4[%dma_start3A_106, %shift_right_arithmetic3A_63, %dma_start3A_107, %and3A_65, %dma_start3A_108] : memref<3x128x32x8x128xf32, #tpu.memory_space<hbm>> -> memref<3x1x32x1x128xf32, #tpu.memory_space<hbm>>
    %dma_start3A_110 = tpu.memref_squeeze %dma_start3A_109 : memref<3x1x32x1x128xf32, #tpu.memory_space<hbm>> -> memref<3x32x128xf32, #tpu.memory_space<hbm>>
    %dma_start3A_111 = arith.constant 6 : i32
    %dma_start3A_112 = arith.constant 0 : i32
    %dma_start3A_113 = arith.constant 0 : i32
    %dma_start3A_114 = tpu.memref_slice %arg9[%dma_start3A_111, %dma_start3A_112, %dma_start3A_113] : memref<9x32x128xf32, #tpu.memory_space<vmem>> -> memref<3x32x128xf32, #tpu.memory_space<vmem>>
    %dma_start3A_115 = arith.constant 0 : i32
    %dma_start3A_116 = arith.constant 0 : i32
    %dma_start3A_117 = arith.constant 0 : i32
    %dma_start3A_118 = tpu.memref_slice %arg4[%dma_start3A_115, %shift_right_arithmetic3A_63, %dma_start3A_116, %and3A_65, %dma_start3A_117] : memref<3x128x32x8x128xf32, #tpu.memory_space<hbm>> -> memref<3x1x32x1x128xf32, #tpu.memory_space<hbm>>
    %dma_start3A_119 = tpu.memref_squeeze %dma_start3A_118 : memref<3x1x32x1x128xf32, #tpu.memory_space<hbm>> -> memref<3x32x128xf32, #tpu.memory_space<hbm>>
    tpu.enqueue_dma source(%dma_start3A_119 : memref<3x32x128xf32, #tpu.memory_space<hbm>>) target(%dma_start3A_114 : memref<3x32x128xf32, #tpu.memory_space<vmem>>) target_semaphore(%arg13 : memref<!tpu.dma_semaphore, #tpu.memory_space<semaphore_mem>>)
    %scan3A = arith.constant 0 : i32
    %scan3A_120 = arith.constant 0 : i32
    %scan3A_121 = arith.constant 16 : i32
    %scan3A_122 = arith.addi %scan3A_120, %scan3A_121 : i32
    %scan3A_123 = arith.constant 1 : i32
    scf.for %scan3A_143 = %scan3A_120 to %scan3A_122 step %scan3A_123  : i32 {
      %mul3A_144 = arith.constant 2 : i32
      %mul3A_145 = arith.muli %mul3A_144, %scan3A_143 : i32
      %add3A_146 = arith.addi %mul3A_2, %mul3A_145 : i32
      %add3A_147 = arith.constant 0 : i32
      %add3A_148 = arith.addi %add3A_146, %add3A_147 : i32
      %shift_right_arithmetic3A_149 = arith.constant 3 : i32
      %shift_right_arithmetic3A_150 = arith.shrsi %add3A_148, %shift_right_arithmetic3A_149 : i32
      %and3A_151 = arith.constant 7 : i32
      %and3A_152 = arith.andi %add3A_148, %and3A_151 : i32
      %dma_wait3A_153 = arith.constant 0 : i32
      %dma_wait3A_154 = arith.constant 0 : i32
      %dma_wait3A_155 = arith.constant 0 : i32
      %dma_wait3A_156 = tpu.memref_slice %arg8[%dma_wait3A_153, %dma_wait3A_154, %dma_wait3A_155] : memref<9x32x128xf32, #tpu.memory_space<vmem>> -> memref<3x32x128xf32, #tpu.memory_space<vmem>>
      %dma_wait3A_157 = arith.constant 0 : i32
      %dma_wait3A_158 = arith.constant 0 : i32
      %dma_wait3A_159 = arith.constant 0 : i32
      %dma_wait3A_160 = tpu.memref_slice %arg2[%dma_wait3A_157, %shift_right_arithmetic3A_150, %dma_wait3A_158, %and3A_152, %dma_wait3A_159] : memref<3x128x32x8x128xf32, #tpu.memory_space<hbm>> -> memref<3x1x32x1x128xf32, #tpu.memory_space<hbm>>
      %dma_wait3A_161 = tpu.memref_squeeze %dma_wait3A_160 : memref<3x1x32x1x128xf32, #tpu.memory_space<hbm>> -> memref<3x32x128xf32, #tpu.memory_space<hbm>>
      %dma_wait3A_162 = arith.constant 0 : i32
      %dma_wait3A_163 = arith.constant 0 : i32
      %dma_wait3A_164 = arith.constant 0 : i32
      %dma_wait3A_165 = tpu.memref_slice %arg8[%dma_wait3A_162, %dma_wait3A_163, %dma_wait3A_164] : memref<9x32x128xf32, #tpu.memory_space<vmem>> -> memref<3x32x128xf32, #tpu.memory_space<vmem>>
      %dma_wait3A_166 = arith.constant 0 : i32
      %dma_wait3A_167 = arith.constant 0 : i32
      %dma_wait3A_168 = arith.constant 0 : i32
      %dma_wait3A_169 = tpu.memref_slice %arg2[%dma_wait3A_166, %shift_right_arithmetic3A_150, %dma_wait3A_167, %and3A_152, %dma_wait3A_168] : memref<3x128x32x8x128xf32, #tpu.memory_space<hbm>> -> memref<3x1x32x1x128xf32, #tpu.memory_space<hbm>>
      %dma_wait3A_170 = tpu.memref_squeeze %dma_wait3A_169 : memref<3x1x32x1x128xf32, #tpu.memory_space<hbm>> -> memref<3x32x128xf32, #tpu.memory_space<hbm>>
      tpu.wait_dma2 semaphore(%arg12 : memref<!tpu.dma_semaphore, #tpu.memory_space<semaphore_mem>>) src(%dma_wait3A_170 : memref<3x32x128xf32, #tpu.memory_space<hbm>>) dst(%dma_wait3A_165 : memref<3x32x128xf32, #tpu.memory_space<vmem>>)
      %dma_wait3A_171 = arith.constant 3 : i32
      %dma_wait3A_172 = arith.constant 0 : i32
      %dma_wait3A_173 = arith.constant 0 : i32
      %dma_wait3A_174 = tpu.memref_slice %arg8[%dma_wait3A_171, %dma_wait3A_172, %dma_wait3A_173] : memref<9x32x128xf32, #tpu.memory_space<vmem>> -> memref<3x32x128xf32, #tpu.memory_space<vmem>>
      %dma_wait3A_175 = arith.constant 0 : i32
      %dma_wait3A_176 = arith.constant 0 : i32
      %dma_wait3A_177 = arith.constant 0 : i32
      %dma_wait3A_178 = tpu.memref_slice %arg3[%dma_wait3A_175, %shift_right_arithmetic3A_150, %dma_wait3A_176, %and3A_152, %dma_wait3A_177] : memref<3x128x32x8x128xf32, #tpu.memory_space<hbm>> -> memref<3x1x32x1x128xf32, #tpu.memory_space<hbm>>
      %dma_wait3A_179 = tpu.memref_squeeze %dma_wait3A_178 : memref<3x1x32x1x128xf32, #tpu.memory_space<hbm>> -> memref<3x32x128xf32, #tpu.memory_space<hbm>>
      %dma_wait3A_180 = arith.constant 3 : i32
      %dma_wait3A_181 = arith.constant 0 : i32
      %dma_wait3A_182 = arith.constant 0 : i32
      %dma_wait3A_183 = tpu.memref_slice %arg8[%dma_wait3A_180, %dma_wait3A_181, %dma_wait3A_182] : memref<9x32x128xf32, #tpu.memory_space<vmem>> -> memref<3x32x128xf32, #tpu.memory_space<vmem>>
      %dma_wait3A_184 = arith.constant 0 : i32
      %dma_wait3A_185 = arith.constant 0 : i32
      %dma_wait3A_186 = arith.constant 0 : i32
      %dma_wait3A_187 = tpu.memref_slice %arg3[%dma_wait3A_184, %shift_right_arithmetic3A_150, %dma_wait3A_185, %and3A_152, %dma_wait3A_186] : memref<3x128x32x8x128xf32, #tpu.memory_space<hbm>> -> memref<3x1x32x1x128xf32, #tpu.memory_space<hbm>>
      %dma_wait3A_188 = tpu.memref_squeeze %dma_wait3A_187 : memref<3x1x32x1x128xf32, #tpu.memory_space<hbm>> -> memref<3x32x128xf32, #tpu.memory_space<hbm>>
      tpu.wait_dma2 semaphore(%arg12 : memref<!tpu.dma_semaphore, #tpu.memory_space<semaphore_mem>>) src(%dma_wait3A_188 : memref<3x32x128xf32, #tpu.memory_space<hbm>>) dst(%dma_wait3A_183 : memref<3x32x128xf32, #tpu.memory_space<vmem>>)
      %dma_wait3A_189 = arith.constant 6 : i32
      %dma_wait3A_190 = arith.constant 0 : i32
      %dma_wait3A_191 = arith.constant 0 : i32
      %dma_wait3A_192 = tpu.memref_slice %arg8[%dma_wait3A_189, %dma_wait3A_190, %dma_wait3A_191] : memref<9x32x128xf32, #tpu.memory_space<vmem>> -> memref<3x32x128xf32, #tpu.memory_space<vmem>>
      %dma_wait3A_193 = arith.constant 0 : i32
      %dma_wait3A_194 = arith.constant 0 : i32
      %dma_wait3A_195 = arith.constant 0 : i32
      %dma_wait3A_196 = tpu.memref_slice %arg4[%dma_wait3A_193, %shift_right_arithmetic3A_150, %dma_wait3A_194, %and3A_152, %dma_wait3A_195] : memref<3x128x32x8x128xf32, #tpu.memory_space<hbm>> -> memref<3x1x32x1x128xf32, #tpu.memory_space<hbm>>
      %dma_wait3A_197 = tpu.memref_squeeze %dma_wait3A_196 : memref<3x1x32x1x128xf32, #tpu.memory_space<hbm>> -> memref<3x32x128xf32, #tpu.memory_space<hbm>>
      %dma_wait3A_198 = arith.constant 6 : i32
      %dma_wait3A_199 = arith.constant 0 : i32
      %dma_wait3A_200 = arith.constant 0 : i32
      %dma_wait3A_201 = tpu.memref_slice %arg8[%dma_wait3A_198, %dma_wait3A_199, %dma_wait3A_200] : memref<9x32x128xf32, #tpu.memory_space<vmem>> -> memref<3x32x128xf32, #tpu.memory_space<vmem>>
      %dma_wait3A_202 = arith.constant 0 : i32
      %dma_wait3A_203 = arith.constant 0 : i32
      %dma_wait3A_204 = arith.constant 0 : i32
      %dma_wait3A_205 = tpu.memref_slice %arg4[%dma_wait3A_202, %shift_right_arithmetic3A_150, %dma_wait3A_203, %and3A_152, %dma_wait3A_204] : memref<3x128x32x8x128xf32, #tpu.memory_space<hbm>> -> memref<3x1x32x1x128xf32, #tpu.memory_space<hbm>>
      %dma_wait3A_206 = tpu.memref_squeeze %dma_wait3A_205 : memref<3x1x32x1x128xf32, #tpu.memory_space<hbm>> -> memref<3x32x128xf32, #tpu.memory_space<hbm>>
      tpu.wait_dma2 semaphore(%arg12 : memref<!tpu.dma_semaphore, #tpu.memory_space<semaphore_mem>>) src(%dma_wait3A_206 : memref<3x32x128xf32, #tpu.memory_space<hbm>>) dst(%dma_wait3A_201 : memref<3x32x128xf32, #tpu.memory_space<vmem>>)
      %gt3A = arith.constant 0 : i32
      %gt3A_207 = arith.cmpi sgt, %scan3A_143, %gt3A : i32
      %convert_element_type3A = arith.extui %gt3A_207 : i1 to i32
      %cond3A = arith.constant 0 : i32
      %cond3A_208 = arith.cmpi ne, %convert_element_type3A, %cond3A : i32
      scf.if %cond3A_208 {
        %mul3A_458 = arith.constant 2 : i32
        %mul3A_459 = arith.muli %mul3A_458, %scan3A_143 : i32
        %add3A_460 = arith.addi %mul3A_2, %mul3A_459 : i32
        %sub3A_461 = arith.constant 1 : i32
        %sub3A_462 = arith.subi %add3A_460, %sub3A_461 : i32
        %mul3A_463 = arith.constant 288 : i32
        %mul3A_464 = arith.muli %sub3A_462, %mul3A_463 : i32
        %add3A_465 = arith.constant 144 : i32
        %add3A_466 = arith.addi %mul3A_464, %add3A_465 : i32
        %dma_wait3A_467 = arith.constant 0 : i32
        %dma_wait3A_468 = tpu.memref_slice %arg6[%add3A_466, %dma_wait3A_467] : memref<294912x128xf32, #tpu.memory_space<hbm>> -> memref<72x128xf32, #tpu.memory_space<hbm>>
        %dma_wait3A_469 = arith.constant 0 : i32
        %dma_wait3A_470 = tpu.memref_slice %arg6[%add3A_466, %dma_wait3A_469] : memref<294912x128xf32, #tpu.memory_space<hbm>> -> memref<72x128xf32, #tpu.memory_space<hbm>>
        tpu.wait_dma2 semaphore(%arg14 : memref<!tpu.dma_semaphore, #tpu.memory_space<semaphore_mem>>) src(%arg10 : memref<72x128xf32, #tpu.memory_space<vmem>>) dst(%dma_wait3A_470 : memref<72x128xf32, #tpu.memory_space<hbm>>)
      } else {
      }
      %parallel_loop3A_209 = arith.constant 0 : i32
      %parallel_loop3A_210 = arith.constant 576 : i32
      %parallel_loop3A_211 = arith.constant 1 : i32
      scf.for %parallel_loop3A_458 = %parallel_loop3A_209 to %parallel_loop3A_210 step %parallel_loop3A_211  : i32 {
        %parallel_loop3A_459 = arith.constant 16 : i32
        %parallel_loop3A_460 = arith.muli %parallel_loop3A_458, %parallel_loop3A_459 : i32
        %parallel_loop3A_461 = arith.constant 0 : i32
        %parallel_loop3A_462 = arith.addi %parallel_loop3A_461, %parallel_loop3A_460 : i32
        %parallel_loop3A_463 = arith.index_cast %parallel_loop3A_462 : i32 to index
        %parallel_loop3A_464 = tpu.vector_load %arg7[%parallel_loop3A_463] {strides = array<i32>} : memref<36864xi32, #tpu.memory_space<vmem>>, vector<16xi32>,
        %parallel_loop3A_465 = arith.constant 12 : i32
        %parallel_loop3A_466 = vector.broadcast %parallel_loop3A_465 : i32 to vector<16xi32>
        %parallel_loop3A_467 = arith.shrsi %parallel_loop3A_464, %parallel_loop3A_466 : vector<16xi32>
        %parallel_loop3A_468 = arith.constant 7 : i32
        %parallel_loop3A_469 = vector.broadcast %parallel_loop3A_468 : i32 to vector<16xi32>
        %parallel_loop3A_470 = arith.shrsi %parallel_loop3A_464, %parallel_loop3A_469 : vector<16xi32>
        %parallel_loop3A_471 = arith.constant 31 : i32
        %parallel_loop3A_472 = vector.broadcast %parallel_loop3A_471 : i32 to vector<16xi32>
        %parallel_loop3A_473 = arith.andi %parallel_loop3A_470, %parallel_loop3A_472 : vector<16xi32>
        %parallel_loop3A_474 = arith.constant 127 : i32
        %parallel_loop3A_475 = vector.broadcast %parallel_loop3A_474 : i32 to vector<16xi32>
        %parallel_loop3A_476 = arith.andi %parallel_loop3A_464, %parallel_loop3A_475 : vector<16xi32>
        %parallel_loop3A_477 = tpu.vector_load_idx %arg8[%parallel_loop3A_467, %parallel_loop3A_473, %parallel_loop3A_476] : memref<9x32x128xf32, #tpu.memory_space<vmem>>[vector<16xi32>, vector<16xi32>, vector<16xi32>], vector<16xf32>,
        %parallel_loop3A_478 = arith.constant 3 : i32
        %parallel_loop3A_479 = arith.shrsi %parallel_loop3A_458, %parallel_loop3A_478 : i32
        %parallel_loop3A_480 = arith.constant 7 : i32
        %parallel_loop3A_481 = arith.andi %parallel_loop3A_458, %parallel_loop3A_480 : i32
        %parallel_loop3A_482 = arith.constant 16 : i32
        %parallel_loop3A_483 = arith.muli %parallel_loop3A_481, %parallel_loop3A_482 : i32
        %parallel_loop3A_484 = arith.index_cast %parallel_loop3A_479 : i32 to index
        %parallel_loop3A_485 = arith.index_cast %parallel_loop3A_483 : i32 to index
        %parallel_loop3A_486 = tpu.vector_load %arg10[%parallel_loop3A_484, %parallel_loop3A_485] {strides = array<i32>} : memref<72x128xf32, #tpu.memory_space<vmem>>, vector<16xf32>,
        tpu.vector_store %arg10[%parallel_loop3A_484, %parallel_loop3A_485], %parallel_loop3A_477 {strides = array<i32>} : memref<72x128xf32, #tpu.memory_space<vmem>>, vector<16xf32>,
      } {sc.loop_unroll_factor = 8 : i64, sc.parallel_access}
      %mul3A_212 = arith.constant 288 : i32
      %mul3A_213 = arith.muli %add3A_148, %mul3A_212 : i32
      %add3A_214 = arith.constant 0 : i32
      %add3A_215 = arith.addi %mul3A_213, %add3A_214 : i32
      %dma_start3A_216 = arith.constant 0 : i32
      %dma_start3A_217 = tpu.memref_slice %arg6[%add3A_215, %dma_start3A_216] : memref<294912x128xf32, #tpu.memory_space<hbm>> -> memref<72x128xf32, #tpu.memory_space<hbm>>
      %dma_start3A_218 = arith.constant 0 : i32
      %dma_start3A_219 = tpu.memref_slice %arg6[%add3A_215, %dma_start3A_218] : memref<294912x128xf32, #tpu.memory_space<hbm>> -> memref<72x128xf32, #tpu.memory_space<hbm>>
      tpu.enqueue_dma source(%arg10 : memref<72x128xf32, #tpu.memory_space<vmem>>) target(%dma_start3A_219 : memref<72x128xf32, #tpu.memory_space<hbm>>) target_semaphore(%arg14 : memref<!tpu.dma_semaphore, #tpu.memory_space<semaphore_mem>>)
      %gt3A_220 = arith.constant 0 : i32
      %gt3A_221 = arith.cmpi sgt, %scan3A_143, %gt3A_220 : i32
      %convert_element_type3A_222 = arith.extui %gt3A_221 : i1 to i32
      %cond3A_223 = arith.constant 0 : i32
      %cond3A_224 = arith.cmpi ne, %convert_element_type3A_222, %cond3A_223 : i32
      scf.if %cond3A_224 {
        %mul3A_458 = arith.constant 2 : i32
        %mul3A_459 = arith.muli %mul3A_458, %scan3A_143 : i32
        %add3A_460 = arith.addi %mul3A_2, %mul3A_459 : i32
        %sub3A_461 = arith.constant 1 : i32
        %sub3A_462 = arith.subi %add3A_460, %sub3A_461 : i32
        %mul3A_463 = arith.constant 288 : i32
        %mul3A_464 = arith.muli %sub3A_462, %mul3A_463 : i32
        %add3A_465 = arith.constant 216 : i32
        %add3A_466 = arith.addi %mul3A_464, %add3A_465 : i32
        %dma_wait3A_467 = arith.constant 0 : i32
        %dma_wait3A_468 = tpu.memref_slice %arg6[%add3A_466, %dma_wait3A_467] : memref<294912x128xf32, #tpu.memory_space<hbm>> -> memref<72x128xf32, #tpu.memory_space<hbm>>
        %dma_wait3A_469 = arith.constant 0 : i32
        %dma_wait3A_470 = tpu.memref_slice %arg6[%add3A_466, %dma_wait3A_469] : memref<294912x128xf32, #tpu.memory_space<hbm>> -> memref<72x128xf32, #tpu.memory_space<hbm>>
        tpu.wait_dma2 semaphore(%arg15 : memref<!tpu.dma_semaphore, #tpu.memory_space<semaphore_mem>>) src(%arg11 : memref<72x128xf32, #tpu.memory_space<vmem>>) dst(%dma_wait3A_470 : memref<72x128xf32, #tpu.memory_space<hbm>>)
      } else {
      }
      %parallel_loop3A_225 = arith.constant 0 : i32
      %parallel_loop3A_226 = arith.constant 576 : i32
      %parallel_loop3A_227 = arith.constant 1 : i32
      scf.for %parallel_loop3A_458 = %parallel_loop3A_225 to %parallel_loop3A_226 step %parallel_loop3A_227  : i32 {
        %parallel_loop3A_459 = arith.constant 16 : i32
        %parallel_loop3A_460 = arith.muli %parallel_loop3A_458, %parallel_loop3A_459 : i32
        %parallel_loop3A_461 = arith.constant 9216 : i32
        %parallel_loop3A_462 = arith.addi %parallel_loop3A_461, %parallel_loop3A_460 : i32
        %parallel_loop3A_463 = arith.index_cast %parallel_loop3A_462 : i32 to index
        %parallel_loop3A_464 = tpu.vector_load %arg7[%parallel_loop3A_463] {strides = array<i32>} : memref<36864xi32, #tpu.memory_space<vmem>>, vector<16xi32>,
        %parallel_loop3A_465 = arith.constant 12 : i32
        %parallel_loop3A_466 = vector.broadcast %parallel_loop3A_465 : i32 to vector<16xi32>
        %parallel_loop3A_467 = arith.shrsi %parallel_loop3A_464, %parallel_loop3A_466 : vector<16xi32>
        %parallel_loop3A_468 = arith.constant 7 : i32
        %parallel_loop3A_469 = vector.broadcast %parallel_loop3A_468 : i32 to vector<16xi32>
        %parallel_loop3A_470 = arith.shrsi %parallel_loop3A_464, %parallel_loop3A_469 : vector<16xi32>
        %parallel_loop3A_471 = arith.constant 31 : i32
        %parallel_loop3A_472 = vector.broadcast %parallel_loop3A_471 : i32 to vector<16xi32>
        %parallel_loop3A_473 = arith.andi %parallel_loop3A_470, %parallel_loop3A_472 : vector<16xi32>
        %parallel_loop3A_474 = arith.constant 127 : i32
        %parallel_loop3A_475 = vector.broadcast %parallel_loop3A_474 : i32 to vector<16xi32>
        %parallel_loop3A_476 = arith.andi %parallel_loop3A_464, %parallel_loop3A_475 : vector<16xi32>
        %parallel_loop3A_477 = tpu.vector_load_idx %arg8[%parallel_loop3A_467, %parallel_loop3A_473, %parallel_loop3A_476] : memref<9x32x128xf32, #tpu.memory_space<vmem>>[vector<16xi32>, vector<16xi32>, vector<16xi32>], vector<16xf32>,
        %parallel_loop3A_478 = arith.constant 3 : i32
        %parallel_loop3A_479 = arith.shrsi %parallel_loop3A_458, %parallel_loop3A_478 : i32
        %parallel_loop3A_480 = arith.constant 7 : i32
        %parallel_loop3A_481 = arith.andi %parallel_loop3A_458, %parallel_loop3A_480 : i32
        %parallel_loop3A_482 = arith.constant 16 : i32
        %parallel_loop3A_483 = arith.muli %parallel_loop3A_481, %parallel_loop3A_482 : i32
        %parallel_loop3A_484 = arith.index_cast %parallel_loop3A_479 : i32 to index
        %parallel_loop3A_485 = arith.index_cast %parallel_loop3A_483 : i32 to index
        %parallel_loop3A_486 = tpu.vector_load %arg11[%parallel_loop3A_484, %parallel_loop3A_485] {strides = array<i32>} : memref<72x128xf32, #tpu.memory_space<vmem>>, vector<16xf32>,
        tpu.vector_store %arg11[%parallel_loop3A_484, %parallel_loop3A_485], %parallel_loop3A_477 {strides = array<i32>} : memref<72x128xf32, #tpu.memory_space<vmem>>, vector<16xf32>,
      } {sc.loop_unroll_factor = 8 : i64, sc.parallel_access}
      %mul3A_228 = arith.constant 288 : i32
      %mul3A_229 = arith.muli %add3A_148, %mul3A_228 : i32
      %add3A_230 = arith.constant 72 : i32
      %add3A_231 = arith.addi %mul3A_229, %add3A_230 : i32
      %dma_start3A_232 = arith.constant 0 : i32
      %dma_start3A_233 = tpu.memref_slice %arg6[%add3A_231, %dma_start3A_232] : memref<294912x128xf32, #tpu.memory_space<hbm>> -> memref<72x128xf32, #tpu.memory_space<hbm>>
      %dma_start3A_234 = arith.constant 0 : i32
      %dma_start3A_235 = tpu.memref_slice %arg6[%add3A_231, %dma_start3A_234] : memref<294912x128xf32, #tpu.memory_space<hbm>> -> memref<72x128xf32, #tpu.memory_space<hbm>>
      tpu.enqueue_dma source(%arg11 : memref<72x128xf32, #tpu.memory_space<vmem>>) target(%dma_start3A_235 : memref<72x128xf32, #tpu.memory_space<hbm>>) target_semaphore(%arg15 : memref<!tpu.dma_semaphore, #tpu.memory_space<semaphore_mem>>)
      %mul3A_236 = arith.constant 2 : i32
      %mul3A_237 = arith.muli %mul3A_236, %scan3A_143 : i32
      %add3A_238 = arith.addi %mul3A_2, %mul3A_237 : i32
      %add3A_239 = arith.constant 0 : i32
      %add3A_240 = arith.addi %add3A_238, %add3A_239 : i32
      %mul3A_241 = arith.constant 288 : i32
      %mul3A_242 = arith.muli %add3A_240, %mul3A_241 : i32
      %add3A_243 = arith.constant 0 : i32
      %add3A_244 = arith.addi %mul3A_242, %add3A_243 : i32
      %dma_wait3A_245 = arith.constant 0 : i32
      %dma_wait3A_246 = tpu.memref_slice %arg6[%add3A_244, %dma_wait3A_245] : memref<294912x128xf32, #tpu.memory_space<hbm>> -> memref<72x128xf32, #tpu.memory_space<hbm>>
      %dma_wait3A_247 = arith.constant 0 : i32
      %dma_wait3A_248 = tpu.memref_slice %arg6[%add3A_244, %dma_wait3A_247] : memref<294912x128xf32, #tpu.memory_space<hbm>> -> memref<72x128xf32, #tpu.memory_space<hbm>>
      tpu.wait_dma2 semaphore(%arg14 : memref<!tpu.dma_semaphore, #tpu.memory_space<semaphore_mem>>) src(%arg10 : memref<72x128xf32, #tpu.memory_space<vmem>>) dst(%dma_wait3A_248 : memref<72x128xf32, #tpu.memory_space<hbm>>)
      %parallel_loop3A_249 = arith.constant 0 : i32
      %parallel_loop3A_250 = arith.constant 576 : i32
      %parallel_loop3A_251 = arith.constant 1 : i32
      scf.for %parallel_loop3A_458 = %parallel_loop3A_249 to %parallel_loop3A_250 step %parallel_loop3A_251  : i32 {
        %parallel_loop3A_459 = arith.constant 16 : i32
        %parallel_loop3A_460 = arith.muli %parallel_loop3A_458, %parallel_loop3A_459 : i32
        %parallel_loop3A_461 = arith.constant 18432 : i32
        %parallel_loop3A_462 = arith.addi %parallel_loop3A_461, %parallel_loop3A_460 : i32
        %parallel_loop3A_463 = arith.index_cast %parallel_loop3A_462 : i32 to index
        %parallel_loop3A_464 = tpu.vector_load %arg7[%parallel_loop3A_463] {strides = array<i32>} : memref<36864xi32, #tpu.memory_space<vmem>>, vector<16xi32>,
        %parallel_loop3A_465 = arith.constant 12 : i32
        %parallel_loop3A_466 = vector.broadcast %parallel_loop3A_465 : i32 to vector<16xi32>
        %parallel_loop3A_467 = arith.shrsi %parallel_loop3A_464, %parallel_loop3A_466 : vector<16xi32>
        %parallel_loop3A_468 = arith.constant 7 : i32
        %parallel_loop3A_469 = vector.broadcast %parallel_loop3A_468 : i32 to vector<16xi32>
        %parallel_loop3A_470 = arith.shrsi %parallel_loop3A_464, %parallel_loop3A_469 : vector<16xi32>
        %parallel_loop3A_471 = arith.constant 31 : i32
        %parallel_loop3A_472 = vector.broadcast %parallel_loop3A_471 : i32 to vector<16xi32>
        %parallel_loop3A_473 = arith.andi %parallel_loop3A_470, %parallel_loop3A_472 : vector<16xi32>
        %parallel_loop3A_474 = arith.constant 127 : i32
        %parallel_loop3A_475 = vector.broadcast %parallel_loop3A_474 : i32 to vector<16xi32>
        %parallel_loop3A_476 = arith.andi %parallel_loop3A_464, %parallel_loop3A_475 : vector<16xi32>
        %parallel_loop3A_477 = tpu.vector_load_idx %arg8[%parallel_loop3A_467, %parallel_loop3A_473, %parallel_loop3A_476] : memref<9x32x128xf32, #tpu.memory_space<vmem>>[vector<16xi32>, vector<16xi32>, vector<16xi32>], vector<16xf32>,
        %parallel_loop3A_478 = arith.constant 3 : i32
        %parallel_loop3A_479 = arith.shrsi %parallel_loop3A_458, %parallel_loop3A_478 : i32
        %parallel_loop3A_480 = arith.constant 7 : i32
        %parallel_loop3A_481 = arith.andi %parallel_loop3A_458, %parallel_loop3A_480 : i32
        %parallel_loop3A_482 = arith.constant 16 : i32
        %parallel_loop3A_483 = arith.muli %parallel_loop3A_481, %parallel_loop3A_482 : i32
        %parallel_loop3A_484 = arith.index_cast %parallel_loop3A_479 : i32 to index
        %parallel_loop3A_485 = arith.index_cast %parallel_loop3A_483 : i32 to index
        %parallel_loop3A_486 = tpu.vector_load %arg10[%parallel_loop3A_484, %parallel_loop3A_485] {strides = array<i32>} : memref<72x128xf32, #tpu.memory_space<vmem>>, vector<16xf32>,
        tpu.vector_store %arg10[%parallel_loop3A_484, %parallel_loop3A_485], %parallel_loop3A_477 {strides = array<i32>} : memref<72x128xf32, #tpu.memory_space<vmem>>, vector<16xf32>,
      } {sc.loop_unroll_factor = 8 : i64, sc.parallel_access}
      %mul3A_252 = arith.constant 288 : i32
      %mul3A_253 = arith.muli %add3A_148, %mul3A_252 : i32
      %add3A_254 = arith.constant 144 : i32
      %add3A_255 = arith.addi %mul3A_253, %add3A_254 : i32
      %dma_start3A_256 = arith.constant 0 : i32
      %dma_start3A_257 = tpu.memref_slice %arg6[%add3A_255, %dma_start3A_256] : memref<294912x128xf32, #tpu.memory_space<hbm>> -> memref<72x128xf32, #tpu.memory_space<hbm>>
      %dma_start3A_258 = arith.constant 0 : i32
      %dma_start3A_259 = tpu.memref_slice %arg6[%add3A_255, %dma_start3A_258] : memref<294912x128xf32, #tpu.memory_space<hbm>> -> memref<72x128xf32, #tpu.memory_space<hbm>>
      tpu.enqueue_dma source(%arg10 : memref<72x128xf32, #tpu.memory_space<vmem>>) target(%dma_start3A_259 : memref<72x128xf32, #tpu.memory_space<hbm>>) target_semaphore(%arg14 : memref<!tpu.dma_semaphore, #tpu.memory_space<semaphore_mem>>)
      %mul3A_260 = arith.constant 2 : i32
      %mul3A_261 = arith.muli %mul3A_260, %scan3A_143 : i32
      %add3A_262 = arith.addi %mul3A_2, %mul3A_261 : i32
      %add3A_263 = arith.constant 0 : i32
      %add3A_264 = arith.addi %add3A_262, %add3A_263 : i32
      %mul3A_265 = arith.constant 288 : i32
      %mul3A_266 = arith.muli %add3A_264, %mul3A_265 : i32
      %add3A_267 = arith.constant 72 : i32
      %add3A_268 = arith.addi %mul3A_266, %add3A_267 : i32
      %dma_wait3A_269 = arith.constant 0 : i32
      %dma_wait3A_270 = tpu.memref_slice %arg6[%add3A_268, %dma_wait3A_269] : memref<294912x128xf32, #tpu.memory_space<hbm>> -> memref<72x128xf32, #tpu.memory_space<hbm>>
      %dma_wait3A_271 = arith.constant 0 : i32
      %dma_wait3A_272 = tpu.memref_slice %arg6[%add3A_268, %dma_wait3A_271] : memref<294912x128xf32, #tpu.memory_space<hbm>> -> memref<72x128xf32, #tpu.memory_space<hbm>>
      tpu.wait_dma2 semaphore(%arg15 : memref<!tpu.dma_semaphore, #tpu.memory_space<semaphore_mem>>) src(%arg11 : memref<72x128xf32, #tpu.memory_space<vmem>>) dst(%dma_wait3A_272 : memref<72x128xf32, #tpu.memory_space<hbm>>)
      %parallel_loop3A_273 = arith.constant 0 : i32
      %parallel_loop3A_274 = arith.constant 576 : i32
      %parallel_loop3A_275 = arith.constant 1 : i32
      scf.for %parallel_loop3A_458 = %parallel_loop3A_273 to %parallel_loop3A_274 step %parallel_loop3A_275  : i32 {
        %parallel_loop3A_459 = arith.constant 16 : i32
        %parallel_loop3A_460 = arith.muli %parallel_loop3A_458, %parallel_loop3A_459 : i32
        %parallel_loop3A_461 = arith.constant 27648 : i32
        %parallel_loop3A_462 = arith.addi %parallel_loop3A_461, %parallel_loop3A_460 : i32
        %parallel_loop3A_463 = arith.index_cast %parallel_loop3A_462 : i32 to index
        %parallel_loop3A_464 = tpu.vector_load %arg7[%parallel_loop3A_463] {strides = array<i32>} : memref<36864xi32, #tpu.memory_space<vmem>>, vector<16xi32>,
        %parallel_loop3A_465 = arith.constant 12 : i32
        %parallel_loop3A_466 = vector.broadcast %parallel_loop3A_465 : i32 to vector<16xi32>
        %parallel_loop3A_467 = arith.shrsi %parallel_loop3A_464, %parallel_loop3A_466 : vector<16xi32>
        %parallel_loop3A_468 = arith.constant 7 : i32
        %parallel_loop3A_469 = vector.broadcast %parallel_loop3A_468 : i32 to vector<16xi32>
        %parallel_loop3A_470 = arith.shrsi %parallel_loop3A_464, %parallel_loop3A_469 : vector<16xi32>
        %parallel_loop3A_471 = arith.constant 31 : i32
        %parallel_loop3A_472 = vector.broadcast %parallel_loop3A_471 : i32 to vector<16xi32>
        %parallel_loop3A_473 = arith.andi %parallel_loop3A_470, %parallel_loop3A_472 : vector<16xi32>
        %parallel_loop3A_474 = arith.constant 127 : i32
        %parallel_loop3A_475 = vector.broadcast %parallel_loop3A_474 : i32 to vector<16xi32>
        %parallel_loop3A_476 = arith.andi %parallel_loop3A_464, %parallel_loop3A_475 : vector<16xi32>
        %parallel_loop3A_477 = tpu.vector_load_idx %arg8[%parallel_loop3A_467, %parallel_loop3A_473, %parallel_loop3A_476] : memref<9x32x128xf32, #tpu.memory_space<vmem>>[vector<16xi32>, vector<16xi32>, vector<16xi32>], vector<16xf32>,
        %parallel_loop3A_478 = arith.constant 3 : i32
        %parallel_loop3A_479 = arith.shrsi %parallel_loop3A_458, %parallel_loop3A_478 : i32
        %parallel_loop3A_480 = arith.constant 7 : i32
        %parallel_loop3A_481 = arith.andi %parallel_loop3A_458, %parallel_loop3A_480 : i32
        %parallel_loop3A_482 = arith.constant 16 : i32
        %parallel_loop3A_483 = arith.muli %parallel_loop3A_481, %parallel_loop3A_482 : i32
        %parallel_loop3A_484 = arith.index_cast %parallel_loop3A_479 : i32 to index
        %parallel_loop3A_485 = arith.index_cast %parallel_loop3A_483 : i32 to index
        %parallel_loop3A_486 = tpu.vector_load %arg11[%parallel_loop3A_484, %parallel_loop3A_485] {strides = array<i32>} : memref<72x128xf32, #tpu.memory_space<vmem>>, vector<16xf32>,
        tpu.vector_store %arg11[%parallel_loop3A_484, %parallel_loop3A_485], %parallel_loop3A_477 {strides = array<i32>} : memref<72x128xf32, #tpu.memory_space<vmem>>, vector<16xf32>,
      } {sc.loop_unroll_factor = 8 : i64, sc.parallel_access}
      %mul3A_276 = arith.constant 288 : i32
      %mul3A_277 = arith.muli %add3A_148, %mul3A_276 : i32
      %add3A_278 = arith.constant 216 : i32
      %add3A_279 = arith.addi %mul3A_277, %add3A_278 : i32
      %dma_start3A_280 = arith.constant 0 : i32
      %dma_start3A_281 = tpu.memref_slice %arg6[%add3A_279, %dma_start3A_280] : memref<294912x128xf32, #tpu.memory_space<hbm>> -> memref<72x128xf32, #tpu.memory_space<hbm>>
      %dma_start3A_282 = arith.constant 0 : i32
      %dma_start3A_283 = tpu.memref_slice %arg6[%add3A_279, %dma_start3A_282] : memref<294912x128xf32, #tpu.memory_space<hbm>> -> memref<72x128xf32, #tpu.memory_space<hbm>>
      tpu.enqueue_dma source(%arg11 : memref<72x128xf32, #tpu.memory_space<vmem>>) target(%dma_start3A_283 : memref<72x128xf32, #tpu.memory_space<hbm>>) target_semaphore(%arg15 : memref<!tpu.dma_semaphore, #tpu.memory_space<semaphore_mem>>)
      %add3A_284 = arith.constant 2 : i32
      %add3A_285 = arith.addi %add3A_148, %add3A_284 : i32
      %add3A_286 = arith.constant 32 : i32
      %add3A_287 = arith.addi %mul3A_2, %add3A_286 : i32
      %lt3A = arith.cmpi slt, %add3A_285, %add3A_287 : i32
      %convert_element_type3A_288 = arith.extui %lt3A : i1 to i32
      %cond3A_289 = arith.constant 0 : i32
      %cond3A_290 = arith.cmpi ne, %convert_element_type3A_288, %cond3A_289 : i32
      scf.if %cond3A_290 {
        %shift_right_arithmetic3A_458 = arith.constant 3 : i32
        %shift_right_arithmetic3A_459 = arith.shrsi %add3A_285, %shift_right_arithmetic3A_458 : i32
        %and3A_460 = arith.constant 7 : i32
        %and3A_461 = arith.andi %add3A_285, %and3A_460 : i32
        %dma_start3A_462 = arith.constant 0 : i32
        %dma_start3A_463 = arith.constant 0 : i32
        %dma_start3A_464 = arith.constant 0 : i32
        %dma_start3A_465 = tpu.memref_slice %arg8[%dma_start3A_462, %dma_start3A_463, %dma_start3A_464] : memref<9x32x128xf32, #tpu.memory_space<vmem>> -> memref<3x32x128xf32, #tpu.memory_space<vmem>>
        %dma_start3A_466 = arith.constant 0 : i32
        %dma_start3A_467 = arith.constant 0 : i32
        %dma_start3A_468 = arith.constant 0 : i32
        %dma_start3A_469 = tpu.memref_slice %arg2[%dma_start3A_466, %shift_right_arithmetic3A_459, %dma_start3A_467, %and3A_461, %dma_start3A_468] : memref<3x128x32x8x128xf32, #tpu.memory_space<hbm>> -> memref<3x1x32x1x128xf32, #tpu.memory_space<hbm>>
        %dma_start3A_470 = tpu.memref_squeeze %dma_start3A_469 : memref<3x1x32x1x128xf32, #tpu.memory_space<hbm>> -> memref<3x32x128xf32, #tpu.memory_space<hbm>>
        %dma_start3A_471 = arith.constant 0 : i32
        %dma_start3A_472 = arith.constant 0 : i32
        %dma_start3A_473 = arith.constant 0 : i32
        %dma_start3A_474 = tpu.memref_slice %arg8[%dma_start3A_471, %dma_start3A_472, %dma_start3A_473] : memref<9x32x128xf32, #tpu.memory_space<vmem>> -> memref<3x32x128xf32, #tpu.memory_space<vmem>>
        %dma_start3A_475 = arith.constant 0 : i32
        %dma_start3A_476 = arith.constant 0 : i32
        %dma_start3A_477 = arith.constant 0 : i32
        %dma_start3A_478 = tpu.memref_slice %arg2[%dma_start3A_475, %shift_right_arithmetic3A_459, %dma_start3A_476, %and3A_461, %dma_start3A_477] : memref<3x128x32x8x128xf32, #tpu.memory_space<hbm>> -> memref<3x1x32x1x128xf32, #tpu.memory_space<hbm>>
        %dma_start3A_479 = tpu.memref_squeeze %dma_start3A_478 : memref<3x1x32x1x128xf32, #tpu.memory_space<hbm>> -> memref<3x32x128xf32, #tpu.memory_space<hbm>>
        tpu.enqueue_dma source(%dma_start3A_479 : memref<3x32x128xf32, #tpu.memory_space<hbm>>) target(%dma_start3A_474 : memref<3x32x128xf32, #tpu.memory_space<vmem>>) target_semaphore(%arg12 : memref<!tpu.dma_semaphore, #tpu.memory_space<semaphore_mem>>)
        %dma_start3A_480 = arith.constant 3 : i32
        %dma_start3A_481 = arith.constant 0 : i32
        %dma_start3A_482 = arith.constant 0 : i32
        %dma_start3A_483 = tpu.memref_slice %arg8[%dma_start3A_480, %dma_start3A_481, %dma_start3A_482] : memref<9x32x128xf32, #tpu.memory_space<vmem>> -> memref<3x32x128xf32, #tpu.memory_space<vmem>>
        %dma_start3A_484 = arith.constant 0 : i32
        %dma_start3A_485 = arith.constant 0 : i32
        %dma_start3A_486 = arith.constant 0 : i32
        %dma_start3A_487 = tpu.memref_slice %arg3[%dma_start3A_484, %shift_right_arithmetic3A_459, %dma_start3A_485, %and3A_461, %dma_start3A_486] : memref<3x128x32x8x128xf32, #tpu.memory_space<hbm>> -> memref<3x1x32x1x128xf32, #tpu.memory_space<hbm>>
        %dma_start3A_488 = tpu.memref_squeeze %dma_start3A_487 : memref<3x1x32x1x128xf32, #tpu.memory_space<hbm>> -> memref<3x32x128xf32, #tpu.memory_space<hbm>>
        %dma_start3A_489 = arith.constant 3 : i32
        %dma_start3A_490 = arith.constant 0 : i32
        %dma_start3A_491 = arith.constant 0 : i32
        %dma_start3A_492 = tpu.memref_slice %arg8[%dma_start3A_489, %dma_start3A_490, %dma_start3A_491] : memref<9x32x128xf32, #tpu.memory_space<vmem>> -> memref<3x32x128xf32, #tpu.memory_space<vmem>>
        %dma_start3A_493 = arith.constant 0 : i32
        %dma_start3A_494 = arith.constant 0 : i32
        %dma_start3A_495 = arith.constant 0 : i32
        %dma_start3A_496 = tpu.memref_slice %arg3[%dma_start3A_493, %shift_right_arithmetic3A_459, %dma_start3A_494, %and3A_461, %dma_start3A_495] : memref<3x128x32x8x128xf32, #tpu.memory_space<hbm>> -> memref<3x1x32x1x128xf32, #tpu.memory_space<hbm>>
        %dma_start3A_497 = tpu.memref_squeeze %dma_start3A_496 : memref<3x1x32x1x128xf32, #tpu.memory_space<hbm>> -> memref<3x32x128xf32, #tpu.memory_space<hbm>>
        tpu.enqueue_dma source(%dma_start3A_497 : memref<3x32x128xf32, #tpu.memory_space<hbm>>) target(%dma_start3A_492 : memref<3x32x128xf32, #tpu.memory_space<vmem>>) target_semaphore(%arg12 : memref<!tpu.dma_semaphore, #tpu.memory_space<semaphore_mem>>)
        %dma_start3A_498 = arith.constant 6 : i32
        %dma_start3A_499 = arith.constant 0 : i32
        %dma_start3A_500 = arith.constant 0 : i32
        %dma_start3A_501 = tpu.memref_slice %arg8[%dma_start3A_498, %dma_start3A_499, %dma_start3A_500] : memref<9x32x128xf32, #tpu.memory_space<vmem>> -> memref<3x32x128xf32, #tpu.memory_space<vmem>>
        %dma_start3A_502 = arith.constant 0 : i32
        %dma_start3A_503 = arith.constant 0 : i32
        %dma_start3A_504 = arith.constant 0 : i32
        %dma_start3A_505 = tpu.memref_slice %arg4[%dma_start3A_502, %shift_right_arithmetic3A_459, %dma_start3A_503, %and3A_461, %dma_start3A_504] : memref<3x128x32x8x128xf32, #tpu.memory_space<hbm>> -> memref<3x1x32x1x128xf32, #tpu.memory_space<hbm>>
        %dma_start3A_506 = tpu.memref_squeeze %dma_start3A_505 : memref<3x1x32x1x128xf32, #tpu.memory_space<hbm>> -> memref<3x32x128xf32, #tpu.memory_space<hbm>>
        %dma_start3A_507 = arith.constant 6 : i32
        %dma_start3A_508 = arith.constant 0 : i32
        %dma_start3A_509 = arith.constant 0 : i32
        %dma_start3A_510 = tpu.memref_slice %arg8[%dma_start3A_507, %dma_start3A_508, %dma_start3A_509] : memref<9x32x128xf32, #tpu.memory_space<vmem>> -> memref<3x32x128xf32, #tpu.memory_space<vmem>>
        %dma_start3A_511 = arith.constant 0 : i32
        %dma_start3A_512 = arith.constant 0 : i32
        %dma_start3A_513 = arith.constant 0 : i32
        %dma_start3A_514 = tpu.memref_slice %arg4[%dma_start3A_511, %shift_right_arithmetic3A_459, %dma_start3A_512, %and3A_461, %dma_start3A_513] : memref<3x128x32x8x128xf32, #tpu.memory_space<hbm>> -> memref<3x1x32x1x128xf32, #tpu.memory_space<hbm>>
        %dma_start3A_515 = tpu.memref_squeeze %dma_start3A_514 : memref<3x1x32x1x128xf32, #tpu.memory_space<hbm>> -> memref<3x32x128xf32, #tpu.memory_space<hbm>>
        tpu.enqueue_dma source(%dma_start3A_515 : memref<3x32x128xf32, #tpu.memory_space<hbm>>) target(%dma_start3A_510 : memref<3x32x128xf32, #tpu.memory_space<vmem>>) target_semaphore(%arg12 : memref<!tpu.dma_semaphore, #tpu.memory_space<semaphore_mem>>)
      } else {
      }
      %mul3A_291 = arith.constant 2 : i32
      %mul3A_292 = arith.muli %mul3A_291, %scan3A_143 : i32
      %add3A_293 = arith.addi %mul3A_2, %mul3A_292 : i32
      %add3A_294 = arith.constant 1 : i32
      %add3A_295 = arith.addi %add3A_293, %add3A_294 : i32
      %shift_right_arithmetic3A_296 = arith.constant 3 : i32
      %shift_right_arithmetic3A_297 = arith.shrsi %add3A_295, %shift_right_arithmetic3A_296 : i32
      %and3A_298 = arith.constant 7 : i32
      %and3A_299 = arith.andi %add3A_295, %and3A_298 : i32
      %dma_wait3A_300 = arith.constant 0 : i32
      %dma_wait3A_301 = arith.constant 0 : i32
      %dma_wait3A_302 = arith.constant 0 : i32
      %dma_wait3A_303 = tpu.memref_slice %arg9[%dma_wait3A_300, %dma_wait3A_301, %dma_wait3A_302] : memref<9x32x128xf32, #tpu.memory_space<vmem>> -> memref<3x32x128xf32, #tpu.memory_space<vmem>>
      %dma_wait3A_304 = arith.constant 0 : i32
      %dma_wait3A_305 = arith.constant 0 : i32
      %dma_wait3A_306 = arith.constant 0 : i32
      %dma_wait3A_307 = tpu.memref_slice %arg2[%dma_wait3A_304, %shift_right_arithmetic3A_297, %dma_wait3A_305, %and3A_299, %dma_wait3A_306] : memref<3x128x32x8x128xf32, #tpu.memory_space<hbm>> -> memref<3x1x32x1x128xf32, #tpu.memory_space<hbm>>
      %dma_wait3A_308 = tpu.memref_squeeze %dma_wait3A_307 : memref<3x1x32x1x128xf32, #tpu.memory_space<hbm>> -> memref<3x32x128xf32, #tpu.memory_space<hbm>>
      %dma_wait3A_309 = arith.constant 0 : i32
      %dma_wait3A_310 = arith.constant 0 : i32
      %dma_wait3A_311 = arith.constant 0 : i32
      %dma_wait3A_312 = tpu.memref_slice %arg9[%dma_wait3A_309, %dma_wait3A_310, %dma_wait3A_311] : memref<9x32x128xf32, #tpu.memory_space<vmem>> -> memref<3x32x128xf32, #tpu.memory_space<vmem>>
      %dma_wait3A_313 = arith.constant 0 : i32
      %dma_wait3A_314 = arith.constant 0 : i32
      %dma_wait3A_315 = arith.constant 0 : i32
      %dma_wait3A_316 = tpu.memref_slice %arg2[%dma_wait3A_313, %shift_right_arithmetic3A_297, %dma_wait3A_314, %and3A_299, %dma_wait3A_315] : memref<3x128x32x8x128xf32, #tpu.memory_space<hbm>> -> memref<3x1x32x1x128xf32, #tpu.memory_space<hbm>>
      %dma_wait3A_317 = tpu.memref_squeeze %dma_wait3A_316 : memref<3x1x32x1x128xf32, #tpu.memory_space<hbm>> -> memref<3x32x128xf32, #tpu.memory_space<hbm>>
      tpu.wait_dma2 semaphore(%arg13 : memref<!tpu.dma_semaphore, #tpu.memory_space<semaphore_mem>>) src(%dma_wait3A_317 : memref<3x32x128xf32, #tpu.memory_space<hbm>>) dst(%dma_wait3A_312 : memref<3x32x128xf32, #tpu.memory_space<vmem>>)
      %dma_wait3A_318 = arith.constant 3 : i32
      %dma_wait3A_319 = arith.constant 0 : i32
      %dma_wait3A_320 = arith.constant 0 : i32
      %dma_wait3A_321 = tpu.memref_slice %arg9[%dma_wait3A_318, %dma_wait3A_319, %dma_wait3A_320] : memref<9x32x128xf32, #tpu.memory_space<vmem>> -> memref<3x32x128xf32, #tpu.memory_space<vmem>>
      %dma_wait3A_322 = arith.constant 0 : i32
      %dma_wait3A_323 = arith.constant 0 : i32
      %dma_wait3A_324 = arith.constant 0 : i32
      %dma_wait3A_325 = tpu.memref_slice %arg3[%dma_wait3A_322, %shift_right_arithmetic3A_297, %dma_wait3A_323, %and3A_299, %dma_wait3A_324] : memref<3x128x32x8x128xf32, #tpu.memory_space<hbm>> -> memref<3x1x32x1x128xf32, #tpu.memory_space<hbm>>
      %dma_wait3A_326 = tpu.memref_squeeze %dma_wait3A_325 : memref<3x1x32x1x128xf32, #tpu.memory_space<hbm>> -> memref<3x32x128xf32, #tpu.memory_space<hbm>>
      %dma_wait3A_327 = arith.constant 3 : i32
      %dma_wait3A_328 = arith.constant 0 : i32
      %dma_wait3A_329 = arith.constant 0 : i32
      %dma_wait3A_330 = tpu.memref_slice %arg9[%dma_wait3A_327, %dma_wait3A_328, %dma_wait3A_329] : memref<9x32x128xf32, #tpu.memory_space<vmem>> -> memref<3x32x128xf32, #tpu.memory_space<vmem>>
      %dma_wait3A_331 = arith.constant 0 : i32
      %dma_wait3A_332 = arith.constant 0 : i32
      %dma_wait3A_333 = arith.constant 0 : i32
      %dma_wait3A_334 = tpu.memref_slice %arg3[%dma_wait3A_331, %shift_right_arithmetic3A_297, %dma_wait3A_332, %and3A_299, %dma_wait3A_333] : memref<3x128x32x8x128xf32, #tpu.memory_space<hbm>> -> memref<3x1x32x1x128xf32, #tpu.memory_space<hbm>>
      %dma_wait3A_335 = tpu.memref_squeeze %dma_wait3A_334 : memref<3x1x32x1x128xf32, #tpu.memory_space<hbm>> -> memref<3x32x128xf32, #tpu.memory_space<hbm>>
      tpu.wait_dma2 semaphore(%arg13 : memref<!tpu.dma_semaphore, #tpu.memory_space<semaphore_mem>>) src(%dma_wait3A_335 : memref<3x32x128xf32, #tpu.memory_space<hbm>>) dst(%dma_wait3A_330 : memref<3x32x128xf32, #tpu.memory_space<vmem>>)
      %dma_wait3A_336 = arith.constant 6 : i32
      %dma_wait3A_337 = arith.constant 0 : i32
      %dma_wait3A_338 = arith.constant 0 : i32
      %dma_wait3A_339 = tpu.memref_slice %arg9[%dma_wait3A_336, %dma_wait3A_337, %dma_wait3A_338] : memref<9x32x128xf32, #tpu.memory_space<vmem>> -> memref<3x32x128xf32, #tpu.memory_space<vmem>>
      %dma_wait3A_340 = arith.constant 0 : i32
      %dma_wait3A_341 = arith.constant 0 : i32
      %dma_wait3A_342 = arith.constant 0 : i32
      %dma_wait3A_343 = tpu.memref_slice %arg4[%dma_wait3A_340, %shift_right_arithmetic3A_297, %dma_wait3A_341, %and3A_299, %dma_wait3A_342] : memref<3x128x32x8x128xf32, #tpu.memory_space<hbm>> -> memref<3x1x32x1x128xf32, #tpu.memory_space<hbm>>
      %dma_wait3A_344 = tpu.memref_squeeze %dma_wait3A_343 : memref<3x1x32x1x128xf32, #tpu.memory_space<hbm>> -> memref<3x32x128xf32, #tpu.memory_space<hbm>>
      %dma_wait3A_345 = arith.constant 6 : i32
      %dma_wait3A_346 = arith.constant 0 : i32
      %dma_wait3A_347 = arith.constant 0 : i32
      %dma_wait3A_348 = tpu.memref_slice %arg9[%dma_wait3A_345, %dma_wait3A_346, %dma_wait3A_347] : memref<9x32x128xf32, #tpu.memory_space<vmem>> -> memref<3x32x128xf32, #tpu.memory_space<vmem>>
      %dma_wait3A_349 = arith.constant 0 : i32
      %dma_wait3A_350 = arith.constant 0 : i32
      %dma_wait3A_351 = arith.constant 0 : i32
      %dma_wait3A_352 = tpu.memref_slice %arg4[%dma_wait3A_349, %shift_right_arithmetic3A_297, %dma_wait3A_350, %and3A_299, %dma_wait3A_351] : memref<3x128x32x8x128xf32, #tpu.memory_space<hbm>> -> memref<3x1x32x1x128xf32, #tpu.memory_space<hbm>>
      %dma_wait3A_353 = tpu.memref_squeeze %dma_wait3A_352 : memref<3x1x32x1x128xf32, #tpu.memory_space<hbm>> -> memref<3x32x128xf32, #tpu.memory_space<hbm>>
      tpu.wait_dma2 semaphore(%arg13 : memref<!tpu.dma_semaphore, #tpu.memory_space<semaphore_mem>>) src(%dma_wait3A_353 : memref<3x32x128xf32, #tpu.memory_space<hbm>>) dst(%dma_wait3A_348 : memref<3x32x128xf32, #tpu.memory_space<vmem>>)
      %mul3A_354 = arith.constant 2 : i32
      %mul3A_355 = arith.muli %mul3A_354, %scan3A_143 : i32
      %add3A_356 = arith.addi %mul3A_2, %mul3A_355 : i32
      %add3A_357 = arith.constant 0 : i32
      %add3A_358 = arith.addi %add3A_356, %add3A_357 : i32
      %mul3A_359 = arith.constant 288 : i32
      %mul3A_360 = arith.muli %add3A_358, %mul3A_359 : i32
      %add3A_361 = arith.constant 144 : i32
      %add3A_362 = arith.addi %mul3A_360, %add3A_361 : i32
      %dma_wait3A_363 = arith.constant 0 : i32
      %dma_wait3A_364 = tpu.memref_slice %arg6[%add3A_362, %dma_wait3A_363] : memref<294912x128xf32, #tpu.memory_space<hbm>> -> memref<72x128xf32, #tpu.memory_space<hbm>>
      %dma_wait3A_365 = arith.constant 0 : i32
      %dma_wait3A_366 = tpu.memref_slice %arg6[%add3A_362, %dma_wait3A_365] : memref<294912x128xf32, #tpu.memory_space<hbm>> -> memref<72x128xf32, #tpu.memory_space<hbm>>
      tpu.wait_dma2 semaphore(%arg14 : memref<!tpu.dma_semaphore, #tpu.memory_space<semaphore_mem>>) src(%arg10 : memref<72x128xf32, #tpu.memory_space<vmem>>) dst(%dma_wait3A_366 : memref<72x128xf32, #tpu.memory_space<hbm>>)
      %parallel_loop3A_367 = arith.constant 0 : i32
      %parallel_loop3A_368 = arith.constant 576 : i32
      %parallel_loop3A_369 = arith.constant 1 : i32
      scf.for %parallel_loop3A_458 = %parallel_loop3A_367 to %parallel_loop3A_368 step %parallel_loop3A_369  : i32 {
        %parallel_loop3A_459 = arith.constant 16 : i32
        %parallel_loop3A_460 = arith.muli %parallel_loop3A_458, %parallel_loop3A_459 : i32
        %parallel_loop3A_461 = arith.constant 0 : i32
        %parallel_loop3A_462 = arith.addi %parallel_loop3A_461, %parallel_loop3A_460 : i32
        %parallel_loop3A_463 = arith.index_cast %parallel_loop3A_462 : i32 to index
        %parallel_loop3A_464 = tpu.vector_load %arg7[%parallel_loop3A_463] {strides = array<i32>} : memref<36864xi32, #tpu.memory_space<vmem>>, vector<16xi32>,
        %parallel_loop3A_465 = arith.constant 12 : i32
        %parallel_loop3A_466 = vector.broadcast %parallel_loop3A_465 : i32 to vector<16xi32>
        %parallel_loop3A_467 = arith.shrsi %parallel_loop3A_464, %parallel_loop3A_466 : vector<16xi32>
        %parallel_loop3A_468 = arith.constant 7 : i32
        %parallel_loop3A_469 = vector.broadcast %parallel_loop3A_468 : i32 to vector<16xi32>
        %parallel_loop3A_470 = arith.shrsi %parallel_loop3A_464, %parallel_loop3A_469 : vector<16xi32>
        %parallel_loop3A_471 = arith.constant 31 : i32
        %parallel_loop3A_472 = vector.broadcast %parallel_loop3A_471 : i32 to vector<16xi32>
        %parallel_loop3A_473 = arith.andi %parallel_loop3A_470, %parallel_loop3A_472 : vector<16xi32>
        %parallel_loop3A_474 = arith.constant 127 : i32
        %parallel_loop3A_475 = vector.broadcast %parallel_loop3A_474 : i32 to vector<16xi32>
        %parallel_loop3A_476 = arith.andi %parallel_loop3A_464, %parallel_loop3A_475 : vector<16xi32>
        %parallel_loop3A_477 = tpu.vector_load_idx %arg9[%parallel_loop3A_467, %parallel_loop3A_473, %parallel_loop3A_476] : memref<9x32x128xf32, #tpu.memory_space<vmem>>[vector<16xi32>, vector<16xi32>, vector<16xi32>], vector<16xf32>,
        %parallel_loop3A_478 = arith.constant 3 : i32
        %parallel_loop3A_479 = arith.shrsi %parallel_loop3A_458, %parallel_loop3A_478 : i32
        %parallel_loop3A_480 = arith.constant 7 : i32
        %parallel_loop3A_481 = arith.andi %parallel_loop3A_458, %parallel_loop3A_480 : i32
        %parallel_loop3A_482 = arith.constant 16 : i32
        %parallel_loop3A_483 = arith.muli %parallel_loop3A_481, %parallel_loop3A_482 : i32
        %parallel_loop3A_484 = arith.index_cast %parallel_loop3A_479 : i32 to index
        %parallel_loop3A_485 = arith.index_cast %parallel_loop3A_483 : i32 to index
        %parallel_loop3A_486 = tpu.vector_load %arg10[%parallel_loop3A_484, %parallel_loop3A_485] {strides = array<i32>} : memref<72x128xf32, #tpu.memory_space<vmem>>, vector<16xf32>,
        tpu.vector_store %arg10[%parallel_loop3A_484, %parallel_loop3A_485], %parallel_loop3A_477 {strides = array<i32>} : memref<72x128xf32, #tpu.memory_space<vmem>>, vector<16xf32>,
      } {sc.loop_unroll_factor = 8 : i64, sc.parallel_access}
      %mul3A_370 = arith.constant 288 : i32
      %mul3A_371 = arith.muli %add3A_295, %mul3A_370 : i32
      %add3A_372 = arith.constant 0 : i32
      %add3A_373 = arith.addi %mul3A_371, %add3A_372 : i32
      %dma_start3A_374 = arith.constant 0 : i32
      %dma_start3A_375 = tpu.memref_slice %arg6[%add3A_373, %dma_start3A_374] : memref<294912x128xf32, #tpu.memory_space<hbm>> -> memref<72x128xf32, #tpu.memory_space<hbm>>
      %dma_start3A_376 = arith.constant 0 : i32
      %dma_start3A_377 = tpu.memref_slice %arg6[%add3A_373, %dma_start3A_376] : memref<294912x128xf32, #tpu.memory_space<hbm>> -> memref<72x128xf32, #tpu.memory_space<hbm>>
      tpu.enqueue_dma source(%arg10 : memref<72x128xf32, #tpu.memory_space<vmem>>) target(%dma_start3A_377 : memref<72x128xf32, #tpu.memory_space<hbm>>) target_semaphore(%arg14 : memref<!tpu.dma_semaphore, #tpu.memory_space<semaphore_mem>>)
      %mul3A_378 = arith.constant 2 : i32
      %mul3A_379 = arith.muli %mul3A_378, %scan3A_143 : i32
      %add3A_380 = arith.addi %mul3A_2, %mul3A_379 : i32
      %add3A_381 = arith.constant 0 : i32
      %add3A_382 = arith.addi %add3A_380, %add3A_381 : i32
      %mul3A_383 = arith.constant 288 : i32
      %mul3A_384 = arith.muli %add3A_382, %mul3A_383 : i32
      %add3A_385 = arith.constant 216 : i32
      %add3A_386 = arith.addi %mul3A_384, %add3A_385 : i32
      %dma_wait3A_387 = arith.constant 0 : i32
      %dma_wait3A_388 = tpu.memref_slice %arg6[%add3A_386, %dma_wait3A_387] : memref<294912x128xf32, #tpu.memory_space<hbm>> -> memref<72x128xf32, #tpu.memory_space<hbm>>
      %dma_wait3A_389 = arith.constant 0 : i32
      %dma_wait3A_390 = tpu.memref_slice %arg6[%add3A_386, %dma_wait3A_389] : memref<294912x128xf32, #tpu.memory_space<hbm>> -> memref<72x128xf32, #tpu.memory_space<hbm>>
      tpu.wait_dma2 semaphore(%arg15 : memref<!tpu.dma_semaphore, #tpu.memory_space<semaphore_mem>>) src(%arg11 : memref<72x128xf32, #tpu.memory_space<vmem>>) dst(%dma_wait3A_390 : memref<72x128xf32, #tpu.memory_space<hbm>>)
      %parallel_loop3A_391 = arith.constant 0 : i32
      %parallel_loop3A_392 = arith.constant 576 : i32
      %parallel_loop3A_393 = arith.constant 1 : i32
      scf.for %parallel_loop3A_458 = %parallel_loop3A_391 to %parallel_loop3A_392 step %parallel_loop3A_393  : i32 {
        %parallel_loop3A_459 = arith.constant 16 : i32
        %parallel_loop3A_460 = arith.muli %parallel_loop3A_458, %parallel_loop3A_459 : i32
        %parallel_loop3A_461 = arith.constant 9216 : i32
        %parallel_loop3A_462 = arith.addi %parallel_loop3A_461, %parallel_loop3A_460 : i32
        %parallel_loop3A_463 = arith.index_cast %parallel_loop3A_462 : i32 to index
        %parallel_loop3A_464 = tpu.vector_load %arg7[%parallel_loop3A_463] {strides = array<i32>} : memref<36864xi32, #tpu.memory_space<vmem>>, vector<16xi32>,
        %parallel_loop3A_465 = arith.constant 12 : i32
        %parallel_loop3A_466 = vector.broadcast %parallel_loop3A_465 : i32 to vector<16xi32>
        %parallel_loop3A_467 = arith.shrsi %parallel_loop3A_464, %parallel_loop3A_466 : vector<16xi32>
        %parallel_loop3A_468 = arith.constant 7 : i32
        %parallel_loop3A_469 = vector.broadcast %parallel_loop3A_468 : i32 to vector<16xi32>
        %parallel_loop3A_470 = arith.shrsi %parallel_loop3A_464, %parallel_loop3A_469 : vector<16xi32>
        %parallel_loop3A_471 = arith.constant 31 : i32
        %parallel_loop3A_472 = vector.broadcast %parallel_loop3A_471 : i32 to vector<16xi32>
        %parallel_loop3A_473 = arith.andi %parallel_loop3A_470, %parallel_loop3A_472 : vector<16xi32>
        %parallel_loop3A_474 = arith.constant 127 : i32
        %parallel_loop3A_475 = vector.broadcast %parallel_loop3A_474 : i32 to vector<16xi32>
        %parallel_loop3A_476 = arith.andi %parallel_loop3A_464, %parallel_loop3A_475 : vector<16xi32>
        %parallel_loop3A_477 = tpu.vector_load_idx %arg9[%parallel_loop3A_467, %parallel_loop3A_473, %parallel_loop3A_476] : memref<9x32x128xf32, #tpu.memory_space<vmem>>[vector<16xi32>, vector<16xi32>, vector<16xi32>], vector<16xf32>,
        %parallel_loop3A_478 = arith.constant 3 : i32
        %parallel_loop3A_479 = arith.shrsi %parallel_loop3A_458, %parallel_loop3A_478 : i32
        %parallel_loop3A_480 = arith.constant 7 : i32
        %parallel_loop3A_481 = arith.andi %parallel_loop3A_458, %parallel_loop3A_480 : i32
        %parallel_loop3A_482 = arith.constant 16 : i32
        %parallel_loop3A_483 = arith.muli %parallel_loop3A_481, %parallel_loop3A_482 : i32
        %parallel_loop3A_484 = arith.index_cast %parallel_loop3A_479 : i32 to index
        %parallel_loop3A_485 = arith.index_cast %parallel_loop3A_483 : i32 to index
        %parallel_loop3A_486 = tpu.vector_load %arg11[%parallel_loop3A_484, %parallel_loop3A_485] {strides = array<i32>} : memref<72x128xf32, #tpu.memory_space<vmem>>, vector<16xf32>,
        tpu.vector_store %arg11[%parallel_loop3A_484, %parallel_loop3A_485], %parallel_loop3A_477 {strides = array<i32>} : memref<72x128xf32, #tpu.memory_space<vmem>>, vector<16xf32>,
      } {sc.loop_unroll_factor = 8 : i64, sc.parallel_access}
      %mul3A_394 = arith.constant 288 : i32
      %mul3A_395 = arith.muli %add3A_295, %mul3A_394 : i32
      %add3A_396 = arith.constant 72 : i32
      %add3A_397 = arith.addi %mul3A_395, %add3A_396 : i32
      %dma_start3A_398 = arith.constant 0 : i32
      %dma_start3A_399 = tpu.memref_slice %arg6[%add3A_397, %dma_start3A_398] : memref<294912x128xf32, #tpu.memory_space<hbm>> -> memref<72x128xf32, #tpu.memory_space<hbm>>
      %dma_start3A_400 = arith.constant 0 : i32
      %dma_start3A_401 = tpu.memref_slice %arg6[%add3A_397, %dma_start3A_400] : memref<294912x128xf32, #tpu.memory_space<hbm>> -> memref<72x128xf32, #tpu.memory_space<hbm>>
      tpu.enqueue_dma source(%arg11 : memref<72x128xf32, #tpu.memory_space<vmem>>) target(%dma_start3A_401 : memref<72x128xf32, #tpu.memory_space<hbm>>) target_semaphore(%arg15 : memref<!tpu.dma_semaphore, #tpu.memory_space<semaphore_mem>>)
      %mul3A_402 = arith.constant 2 : i32
      %mul3A_403 = arith.muli %mul3A_402, %scan3A_143 : i32
      %add3A_404 = arith.addi %mul3A_2, %mul3A_403 : i32
      %add3A_405 = arith.constant 1 : i32
      %add3A_406 = arith.addi %add3A_404, %add3A_405 : i32
      %mul3A_407 = arith.constant 288 : i32
      %mul3A_408 = arith.muli %add3A_406, %mul3A_407 : i32
      %add3A_409 = arith.constant 0 : i32
      %add3A_410 = arith.addi %mul3A_408, %add3A_409 : i32
      %dma_wait3A_411 = arith.constant 0 : i32
      %dma_wait3A_412 = tpu.memref_slice %arg6[%add3A_410, %dma_wait3A_411] : memref<294912x128xf32, #tpu.memory_space<hbm>> -> memref<72x128xf32, #tpu.memory_space<hbm>>
      %dma_wait3A_413 = arith.constant 0 : i32
      %dma_wait3A_414 = tpu.memref_slice %arg6[%add3A_410, %dma_wait3A_413] : memref<294912x128xf32, #tpu.memory_space<hbm>> -> memref<72x128xf32, #tpu.memory_space<hbm>>
      tpu.wait_dma2 semaphore(%arg14 : memref<!tpu.dma_semaphore, #tpu.memory_space<semaphore_mem>>) src(%arg10 : memref<72x128xf32, #tpu.memory_space<vmem>>) dst(%dma_wait3A_414 : memref<72x128xf32, #tpu.memory_space<hbm>>)
      %parallel_loop3A_415 = arith.constant 0 : i32
      %parallel_loop3A_416 = arith.constant 576 : i32
      %parallel_loop3A_417 = arith.constant 1 : i32
      scf.for %parallel_loop3A_458 = %parallel_loop3A_415 to %parallel_loop3A_416 step %parallel_loop3A_417  : i32 {
        %parallel_loop3A_459 = arith.constant 16 : i32
        %parallel_loop3A_460 = arith.muli %parallel_loop3A_458, %parallel_loop3A_459 : i32
        %parallel_loop3A_461 = arith.constant 18432 : i32
        %parallel_loop3A_462 = arith.addi %parallel_loop3A_461, %parallel_loop3A_460 : i32
        %parallel_loop3A_463 = arith.index_cast %parallel_loop3A_462 : i32 to index
        %parallel_loop3A_464 = tpu.vector_load %arg7[%parallel_loop3A_463] {strides = array<i32>} : memref<36864xi32, #tpu.memory_space<vmem>>, vector<16xi32>,
        %parallel_loop3A_465 = arith.constant 12 : i32
        %parallel_loop3A_466 = vector.broadcast %parallel_loop3A_465 : i32 to vector<16xi32>
        %parallel_loop3A_467 = arith.shrsi %parallel_loop3A_464, %parallel_loop3A_466 : vector<16xi32>
        %parallel_loop3A_468 = arith.constant 7 : i32
        %parallel_loop3A_469 = vector.broadcast %parallel_loop3A_468 : i32 to vector<16xi32>
        %parallel_loop3A_470 = arith.shrsi %parallel_loop3A_464, %parallel_loop3A_469 : vector<16xi32>
        %parallel_loop3A_471 = arith.constant 31 : i32
        %parallel_loop3A_472 = vector.broadcast %parallel_loop3A_471 : i32 to vector<16xi32>
        %parallel_loop3A_473 = arith.andi %parallel_loop3A_470, %parallel_loop3A_472 : vector<16xi32>
        %parallel_loop3A_474 = arith.constant 127 : i32
        %parallel_loop3A_475 = vector.broadcast %parallel_loop3A_474 : i32 to vector<16xi32>
        %parallel_loop3A_476 = arith.andi %parallel_loop3A_464, %parallel_loop3A_475 : vector<16xi32>
        %parallel_loop3A_477 = tpu.vector_load_idx %arg9[%parallel_loop3A_467, %parallel_loop3A_473, %parallel_loop3A_476] : memref<9x32x128xf32, #tpu.memory_space<vmem>>[vector<16xi32>, vector<16xi32>, vector<16xi32>], vector<16xf32>,
        %parallel_loop3A_478 = arith.constant 3 : i32
        %parallel_loop3A_479 = arith.shrsi %parallel_loop3A_458, %parallel_loop3A_478 : i32
        %parallel_loop3A_480 = arith.constant 7 : i32
        %parallel_loop3A_481 = arith.andi %parallel_loop3A_458, %parallel_loop3A_480 : i32
        %parallel_loop3A_482 = arith.constant 16 : i32
        %parallel_loop3A_483 = arith.muli %parallel_loop3A_481, %parallel_loop3A_482 : i32
        %parallel_loop3A_484 = arith.index_cast %parallel_loop3A_479 : i32 to index
        %parallel_loop3A_485 = arith.index_cast %parallel_loop3A_483 : i32 to index
        %parallel_loop3A_486 = tpu.vector_load %arg10[%parallel_loop3A_484, %parallel_loop3A_485] {strides = array<i32>} : memref<72x128xf32, #tpu.memory_space<vmem>>, vector<16xf32>,
        tpu.vector_store %arg10[%parallel_loop3A_484, %parallel_loop3A_485], %parallel_loop3A_477 {strides = array<i32>} : memref<72x128xf32, #tpu.memory_space<vmem>>, vector<16xf32>,
      } {sc.loop_unroll_factor = 8 : i64, sc.parallel_access}
      %mul3A_418 = arith.constant 288 : i32
      %mul3A_419 = arith.muli %add3A_295, %mul3A_418 : i32
      %add3A_420 = arith.constant 144 : i32
      %add3A_421 = arith.addi %mul3A_419, %add3A_420 : i32
      %dma_start3A_422 = arith.constant 0 : i32
      %dma_start3A_423 = tpu.memref_slice %arg6[%add3A_421, %dma_start3A_422] : memref<294912x128xf32, #tpu.memory_space<hbm>> -> memref<72x128xf32, #tpu.memory_space<hbm>>
      %dma_start3A_424 = arith.constant 0 : i32
      %dma_start3A_425 = tpu.memref_slice %arg6[%add3A_421, %dma_start3A_424] : memref<294912x128xf32, #tpu.memory_space<hbm>> -> memref<72x128xf32, #tpu.memory_space<hbm>>
      tpu.enqueue_dma source(%arg10 : memref<72x128xf32, #tpu.memory_space<vmem>>) target(%dma_start3A_425 : memref<72x128xf32, #tpu.memory_space<hbm>>) target_semaphore(%arg14 : memref<!tpu.dma_semaphore, #tpu.memory_space<semaphore_mem>>)
      %mul3A_426 = arith.constant 2 : i32
      %mul3A_427 = arith.muli %mul3A_426, %scan3A_143 : i32
      %add3A_428 = arith.addi %mul3A_2, %mul3A_427 : i32
      %add3A_429 = arith.constant 1 : i32
      %add3A_430 = arith.addi %add3A_428, %add3A_429 : i32
      %mul3A_431 = arith.constant 288 : i32
      %mul3A_432 = arith.muli %add3A_430, %mul3A_431 : i32
      %add3A_433 = arith.constant 72 : i32
      %add3A_434 = arith.addi %mul3A_432, %add3A_433 : i32
      %dma_wait3A_435 = arith.constant 0 : i32
      %dma_wait3A_436 = tpu.memref_slice %arg6[%add3A_434, %dma_wait3A_435] : memref<294912x128xf32, #tpu.memory_space<hbm>> -> memref<72x128xf32, #tpu.memory_space<hbm>>
      %dma_wait3A_437 = arith.constant 0 : i32
      %dma_wait3A_438 = tpu.memref_slice %arg6[%add3A_434, %dma_wait3A_437] : memref<294912x128xf32, #tpu.memory_space<hbm>> -> memref<72x128xf32, #tpu.memory_space<hbm>>
      tpu.wait_dma2 semaphore(%arg15 : memref<!tpu.dma_semaphore, #tpu.memory_space<semaphore_mem>>) src(%arg11 : memref<72x128xf32, #tpu.memory_space<vmem>>) dst(%dma_wait3A_438 : memref<72x128xf32, #tpu.memory_space<hbm>>)
      %parallel_loop3A_439 = arith.constant 0 : i32
      %parallel_loop3A_440 = arith.constant 576 : i32
      %parallel_loop3A_441 = arith.constant 1 : i32
      scf.for %parallel_loop3A_458 = %parallel_loop3A_439 to %parallel_loop3A_440 step %parallel_loop3A_441  : i32 {
        %parallel_loop3A_459 = arith.constant 16 : i32
        %parallel_loop3A_460 = arith.muli %parallel_loop3A_458, %parallel_loop3A_459 : i32
        %parallel_loop3A_461 = arith.constant 27648 : i32
        %parallel_loop3A_462 = arith.addi %parallel_loop3A_461, %parallel_loop3A_460 : i32
        %parallel_loop3A_463 = arith.index_cast %parallel_loop3A_462 : i32 to index
        %parallel_loop3A_464 = tpu.vector_load %arg7[%parallel_loop3A_463] {strides = array<i32>} : memref<36864xi32, #tpu.memory_space<vmem>>, vector<16xi32>,
        %parallel_loop3A_465 = arith.constant 12 : i32
        %parallel_loop3A_466 = vector.broadcast %parallel_loop3A_465 : i32 to vector<16xi32>
        %parallel_loop3A_467 = arith.shrsi %parallel_loop3A_464, %parallel_loop3A_466 : vector<16xi32>
        %parallel_loop3A_468 = arith.constant 7 : i32
        %parallel_loop3A_469 = vector.broadcast %parallel_loop3A_468 : i32 to vector<16xi32>
        %parallel_loop3A_470 = arith.shrsi %parallel_loop3A_464, %parallel_loop3A_469 : vector<16xi32>
        %parallel_loop3A_471 = arith.constant 31 : i32
        %parallel_loop3A_472 = vector.broadcast %parallel_loop3A_471 : i32 to vector<16xi32>
        %parallel_loop3A_473 = arith.andi %parallel_loop3A_470, %parallel_loop3A_472 : vector<16xi32>
        %parallel_loop3A_474 = arith.constant 127 : i32
        %parallel_loop3A_475 = vector.broadcast %parallel_loop3A_474 : i32 to vector<16xi32>
        %parallel_loop3A_476 = arith.andi %parallel_loop3A_464, %parallel_loop3A_475 : vector<16xi32>
        %parallel_loop3A_477 = tpu.vector_load_idx %arg9[%parallel_loop3A_467, %parallel_loop3A_473, %parallel_loop3A_476] : memref<9x32x128xf32, #tpu.memory_space<vmem>>[vector<16xi32>, vector<16xi32>, vector<16xi32>], vector<16xf32>,
        %parallel_loop3A_478 = arith.constant 3 : i32
        %parallel_loop3A_479 = arith.shrsi %parallel_loop3A_458, %parallel_loop3A_478 : i32
        %parallel_loop3A_480 = arith.constant 7 : i32
        %parallel_loop3A_481 = arith.andi %parallel_loop3A_458, %parallel_loop3A_480 : i32
        %parallel_loop3A_482 = arith.constant 16 : i32
        %parallel_loop3A_483 = arith.muli %parallel_loop3A_481, %parallel_loop3A_482 : i32
        %parallel_loop3A_484 = arith.index_cast %parallel_loop3A_479 : i32 to index
        %parallel_loop3A_485 = arith.index_cast %parallel_loop3A_483 : i32 to index
        %parallel_loop3A_486 = tpu.vector_load %arg11[%parallel_loop3A_484, %parallel_loop3A_485] {strides = array<i32>} : memref<72x128xf32, #tpu.memory_space<vmem>>, vector<16xf32>,
        tpu.vector_store %arg11[%parallel_loop3A_484, %parallel_loop3A_485], %parallel_loop3A_477 {strides = array<i32>} : memref<72x128xf32, #tpu.memory_space<vmem>>, vector<16xf32>,
      } {sc.loop_unroll_factor = 8 : i64, sc.parallel_access}
      %mul3A_442 = arith.constant 288 : i32
      %mul3A_443 = arith.muli %add3A_295, %mul3A_442 : i32
      %add3A_444 = arith.constant 216 : i32
      %add3A_445 = arith.addi %mul3A_443, %add3A_444 : i32
      %dma_start3A_446 = arith.constant 0 : i32
      %dma_start3A_447 = tpu.memref_slice %arg6[%add3A_445, %dma_start3A_446] : memref<294912x128xf32, #tpu.memory_space<hbm>> -> memref<72x128xf32, #tpu.memory_space<hbm>>
      %dma_start3A_448 = arith.constant 0 : i32
      %dma_start3A_449 = tpu.memref_slice %arg6[%add3A_445, %dma_start3A_448] : memref<294912x128xf32, #tpu.memory_space<hbm>> -> memref<72x128xf32, #tpu.memory_space<hbm>>
      tpu.enqueue_dma source(%arg11 : memref<72x128xf32, #tpu.memory_space<vmem>>) target(%dma_start3A_449 : memref<72x128xf32, #tpu.memory_space<hbm>>) target_semaphore(%arg15 : memref<!tpu.dma_semaphore, #tpu.memory_space<semaphore_mem>>)
      %add3A_450 = arith.constant 2 : i32
      %add3A_451 = arith.addi %add3A_295, %add3A_450 : i32
      %add3A_452 = arith.constant 32 : i32
      %add3A_453 = arith.addi %mul3A_2, %add3A_452 : i32
      %lt3A_454 = arith.cmpi slt, %add3A_451, %add3A_453 : i32
      %convert_element_type3A_455 = arith.extui %lt3A_454 : i1 to i32
      %cond3A_456 = arith.constant 0 : i32
      %cond3A_457 = arith.cmpi ne, %convert_element_type3A_455, %cond3A_456 : i32
      scf.if %cond3A_457 {
        %shift_right_arithmetic3A_458 = arith.constant 3 : i32
        %shift_right_arithmetic3A_459 = arith.shrsi %add3A_451, %shift_right_arithmetic3A_458 : i32
        %and3A_460 = arith.constant 7 : i32
        %and3A_461 = arith.andi %add3A_451, %and3A_460 : i32
        %dma_start3A_462 = arith.constant 0 : i32
        %dma_start3A_463 = arith.constant 0 : i32
        %dma_start3A_464 = arith.constant 0 : i32
        %dma_start3A_465 = tpu.memref_slice %arg9[%dma_start3A_462, %dma_start3A_463, %dma_start3A_464] : memref<9x32x128xf32, #tpu.memory_space<vmem>> -> memref<3x32x128xf32, #tpu.memory_space<vmem>>
        %dma_start3A_466 = arith.constant 0 : i32
        %dma_start3A_467 = arith.constant 0 : i32
        %dma_start3A_468 = arith.constant 0 : i32
        %dma_start3A_469 = tpu.memref_slice %arg2[%dma_start3A_466, %shift_right_arithmetic3A_459, %dma_start3A_467, %and3A_461, %dma_start3A_468] : memref<3x128x32x8x128xf32, #tpu.memory_space<hbm>> -> memref<3x1x32x1x128xf32, #tpu.memory_space<hbm>>
        %dma_start3A_470 = tpu.memref_squeeze %dma_start3A_469 : memref<3x1x32x1x128xf32, #tpu.memory_space<hbm>> -> memref<3x32x128xf32, #tpu.memory_space<hbm>>
        %dma_start3A_471 = arith.constant 0 : i32
        %dma_start3A_472 = arith.constant 0 : i32
        %dma_start3A_473 = arith.constant 0 : i32
        %dma_start3A_474 = tpu.memref_slice %arg9[%dma_start3A_471, %dma_start3A_472, %dma_start3A_473] : memref<9x32x128xf32, #tpu.memory_space<vmem>> -> memref<3x32x128xf32, #tpu.memory_space<vmem>>
        %dma_start3A_475 = arith.constant 0 : i32
        %dma_start3A_476 = arith.constant 0 : i32
        %dma_start3A_477 = arith.constant 0 : i32
        %dma_start3A_478 = tpu.memref_slice %arg2[%dma_start3A_475, %shift_right_arithmetic3A_459, %dma_start3A_476, %and3A_461, %dma_start3A_477] : memref<3x128x32x8x128xf32, #tpu.memory_space<hbm>> -> memref<3x1x32x1x128xf32, #tpu.memory_space<hbm>>
        %dma_start3A_479 = tpu.memref_squeeze %dma_start3A_478 : memref<3x1x32x1x128xf32, #tpu.memory_space<hbm>> -> memref<3x32x128xf32, #tpu.memory_space<hbm>>
        tpu.enqueue_dma source(%dma_start3A_479 : memref<3x32x128xf32, #tpu.memory_space<hbm>>) target(%dma_start3A_474 : memref<3x32x128xf32, #tpu.memory_space<vmem>>) target_semaphore(%arg13 : memref<!tpu.dma_semaphore, #tpu.memory_space<semaphore_mem>>)
        %dma_start3A_480 = arith.constant 3 : i32
        %dma_start3A_481 = arith.constant 0 : i32
        %dma_start3A_482 = arith.constant 0 : i32
        %dma_start3A_483 = tpu.memref_slice %arg9[%dma_start3A_480, %dma_start3A_481, %dma_start3A_482] : memref<9x32x128xf32, #tpu.memory_space<vmem>> -> memref<3x32x128xf32, #tpu.memory_space<vmem>>
        %dma_start3A_484 = arith.constant 0 : i32
        %dma_start3A_485 = arith.constant 0 : i32
        %dma_start3A_486 = arith.constant 0 : i32
        %dma_start3A_487 = tpu.memref_slice %arg3[%dma_start3A_484, %shift_right_arithmetic3A_459, %dma_start3A_485, %and3A_461, %dma_start3A_486] : memref<3x128x32x8x128xf32, #tpu.memory_space<hbm>> -> memref<3x1x32x1x128xf32, #tpu.memory_space<hbm>>
        %dma_start3A_488 = tpu.memref_squeeze %dma_start3A_487 : memref<3x1x32x1x128xf32, #tpu.memory_space<hbm>> -> memref<3x32x128xf32, #tpu.memory_space<hbm>>
        %dma_start3A_489 = arith.constant 3 : i32
        %dma_start3A_490 = arith.constant 0 : i32
        %dma_start3A_491 = arith.constant 0 : i32
        %dma_start3A_492 = tpu.memref_slice %arg9[%dma_start3A_489, %dma_start3A_490, %dma_start3A_491] : memref<9x32x128xf32, #tpu.memory_space<vmem>> -> memref<3x32x128xf32, #tpu.memory_space<vmem>>
        %dma_start3A_493 = arith.constant 0 : i32
        %dma_start3A_494 = arith.constant 0 : i32
        %dma_start3A_495 = arith.constant 0 : i32
        %dma_start3A_496 = tpu.memref_slice %arg3[%dma_start3A_493, %shift_right_arithmetic3A_459, %dma_start3A_494, %and3A_461, %dma_start3A_495] : memref<3x128x32x8x128xf32, #tpu.memory_space<hbm>> -> memref<3x1x32x1x128xf32, #tpu.memory_space<hbm>>
        %dma_start3A_497 = tpu.memref_squeeze %dma_start3A_496 : memref<3x1x32x1x128xf32, #tpu.memory_space<hbm>> -> memref<3x32x128xf32, #tpu.memory_space<hbm>>
        tpu.enqueue_dma source(%dma_start3A_497 : memref<3x32x128xf32, #tpu.memory_space<hbm>>) target(%dma_start3A_492 : memref<3x32x128xf32, #tpu.memory_space<vmem>>) target_semaphore(%arg13 : memref<!tpu.dma_semaphore, #tpu.memory_space<semaphore_mem>>)
        %dma_start3A_498 = arith.constant 6 : i32
        %dma_start3A_499 = arith.constant 0 : i32
        %dma_start3A_500 = arith.constant 0 : i32
        %dma_start3A_501 = tpu.memref_slice %arg9[%dma_start3A_498, %dma_start3A_499, %dma_start3A_500] : memref<9x32x128xf32, #tpu.memory_space<vmem>> -> memref<3x32x128xf32, #tpu.memory_space<vmem>>
        %dma_start3A_502 = arith.constant 0 : i32
        %dma_start3A_503 = arith.constant 0 : i32
        %dma_start3A_504 = arith.constant 0 : i32
        %dma_start3A_505 = tpu.memref_slice %arg4[%dma_start3A_502, %shift_right_arithmetic3A_459, %dma_start3A_503, %and3A_461, %dma_start3A_504] : memref<3x128x32x8x128xf32, #tpu.memory_space<hbm>> -> memref<3x1x32x1x128xf32, #tpu.memory_space<hbm>>
        %dma_start3A_506 = tpu.memref_squeeze %dma_start3A_505 : memref<3x1x32x1x128xf32, #tpu.memory_space<hbm>> -> memref<3x32x128xf32, #tpu.memory_space<hbm>>
        %dma_start3A_507 = arith.constant 6 : i32
        %dma_start3A_508 = arith.constant 0 : i32
        %dma_start3A_509 = arith.constant 0 : i32
        %dma_start3A_510 = tpu.memref_slice %arg9[%dma_start3A_507, %dma_start3A_508, %dma_start3A_509] : memref<9x32x128xf32, #tpu.memory_space<vmem>> -> memref<3x32x128xf32, #tpu.memory_space<vmem>>
        %dma_start3A_511 = arith.constant 0 : i32
        %dma_start3A_512 = arith.constant 0 : i32
        %dma_start3A_513 = arith.constant 0 : i32
        %dma_start3A_514 = tpu.memref_slice %arg4[%dma_start3A_511, %shift_right_arithmetic3A_459, %dma_start3A_512, %and3A_461, %dma_start3A_513] : memref<3x128x32x8x128xf32, #tpu.memory_space<hbm>> -> memref<3x1x32x1x128xf32, #tpu.memory_space<hbm>>
        %dma_start3A_515 = tpu.memref_squeeze %dma_start3A_514 : memref<3x1x32x1x128xf32, #tpu.memory_space<hbm>> -> memref<3x32x128xf32, #tpu.memory_space<hbm>>
        tpu.enqueue_dma source(%dma_start3A_515 : memref<3x32x128xf32, #tpu.memory_space<hbm>>) target(%dma_start3A_510 : memref<3x32x128xf32, #tpu.memory_space<vmem>>) target_semaphore(%arg13 : memref<!tpu.dma_semaphore, #tpu.memory_space<semaphore_mem>>)
      } else {
      }
    }
    %scan3A_124 = arith.constant 16 : i32
    %add3A_125 = arith.constant 32 : i32
    %add3A_126 = arith.addi %mul3A_2, %add3A_125 : i32
    %sub3A = arith.constant 1 : i32
    %sub3A_127 = arith.subi %add3A_126, %sub3A : i32
    %mul3A_128 = arith.constant 288 : i32
    %mul3A_129 = arith.muli %sub3A_127, %mul3A_128 : i32
    %add3A_130 = arith.constant 144 : i32
    %add3A_131 = arith.addi %mul3A_129, %add3A_130 : i32
    %dma_wait3A = arith.constant 0 : i32
    %dma_wait3A_132 = tpu.memref_slice %arg6[%add3A_131, %dma_wait3A] : memref<294912x128xf32, #tpu.memory_space<hbm>> -> memref<72x128xf32, #tpu.memory_space<hbm>>
    %dma_wait3A_133 = arith.constant 0 : i32
    %dma_wait3A_134 = tpu.memref_slice %arg6[%add3A_131, %dma_wait3A_133] : memref<294912x128xf32, #tpu.memory_space<hbm>> -> memref<72x128xf32, #tpu.memory_space<hbm>>
    tpu.wait_dma2 semaphore(%arg14 : memref<!tpu.dma_semaphore, #tpu.memory_space<semaphore_mem>>) src(%arg10 : memref<72x128xf32, #tpu.memory_space<vmem>>) dst(%dma_wait3A_134 : memref<72x128xf32, #tpu.memory_space<hbm>>)
    %mul3A_135 = arith.constant 288 : i32
    %mul3A_136 = arith.muli %sub3A_127, %mul3A_135 : i32
    %add3A_137 = arith.constant 216 : i32
    %add3A_138 = arith.addi %mul3A_136, %add3A_137 : i32
    %dma_wait3A_139 = arith.constant 0 : i32
    %dma_wait3A_140 = tpu.memref_slice %arg6[%add3A_138, %dma_wait3A_139] : memref<294912x128xf32, #tpu.memory_space<hbm>> -> memref<72x128xf32, #tpu.memory_space<hbm>>
    %dma_wait3A_141 = arith.constant 0 : i32
    %dma_wait3A_142 = tpu.memref_slice %arg6[%add3A_138, %dma_wait3A_141] : memref<294912x128xf32, #tpu.memory_space<hbm>> -> memref<72x128xf32, #tpu.memory_space<hbm>>
    tpu.wait_dma2 semaphore(%arg15 : memref<!tpu.dma_semaphore, #tpu.memory_space<semaphore_mem>>) src(%arg11 : memref<72x128xf32, #tpu.memory_space<vmem>>) dst(%dma_wait3A_142 : memref<72x128xf32, #tpu.memory_space<hbm>>)
    return
  }
}

</mosaic_0001>

<sc_bundles>
// kernel: kernel.3.cloned.1.call-start
scs
__scs_entry_jumppad:
0x0: {  	(pc) =	sbr.rel $0x88, $3  }
0x1: {  	(tag) =	ssettag $0x0;
	lr =	simm.s32 $0x1  }
0x2: {  	[smem:$0x3F9D] =	sst lr;
	_ =	strace $0xD0000000  }
0x3: {  	_ = 	snop  }
0x4: {  	_ = 	snop  }
0x5: {  	_ = 	snop  }
0x6: {  	_ = 	snop  }
0x7: {  	_ = 	snop  }
__scs_overlays_trampoline_lowered:
0x8: {  	[smem:$0x3FAC] =	sst s0  }
0x9: {  	[smem:$0x3FAD] =	sst s1  }
0xa: {  	[smem:$0x3FAE] =	sst s2  }
0xb: {  	[smem:$0x3FAF] =	sst s3  }
0xc: {  	[smem:$0x3FB0] =	sst s4  }
0xd: {  	[smem:$0x3FB1] =	sst s5  }
0xe: {  	[smem:$0x3FB2] =	sst s6  }
0xf: {  	[smem:$0x3FB3] =	sst s7  }
0x10: {  	[smem:$0x3FB4] =	sst s8  }
0x11: {  	[smem:$0x3FB5] =	sst s9;
	s0 =	simm.s32 @!p0 $0x0  }
0x12: {  	s1 =	sld [smem:$0x3F9B];
	s0 =	simm.s32 @p0 $0x1  }
0x13: {  	[smem:$0x3FB6] =	sst s0;
	s0 =	simm.s32 @!p1 $0x0  }
0x14: {  	s2 =	sld [smem:$0x3F9A];
	s0 =	simm.s32 @p1 $0x1  }
0x15: {  	[smem:$0x3FB7] =	sst s0;
	s0 =	simm.s32 @!p2 $0x0  }
0x16: {  	s3 =	sld [smem:$0x3FDB];
	s0 =	simm.s32 @p2 $0x1  }
0x17: {  	s4 =	simm.s32 $0x1BF5;
	[smem:$0x3FB9] =	sst s0  }
0x18: {  	s0 =	sld [smem:$0x3F9C];
	_ =	swait.ge [sflag:s4], $0x0  }
0x19: {  	s7 =	sld [smem:$0x3F9D]  }
0x1a: {  	s8 =	sadd.s32 $0xFFFFE003, lr  }
0x1b: {  	s9 =	sadd.s32 $0xFFFFFEF7, lr;
	s5 =	simm.s32 $0xFFFFFFFF;
	p2 =	slt.u32 s8, $0xFFFFF086  }
0x1c: {  	p1 =	slt.u32 s9, $0xF7A;
	s5 =	simm.s32 @!p2 $0x0  }
0x1d: {  	s5 =	simm.s32 @p1 $0x1;
	p0 =	seq.s32 s7, s2  }
0x1e: {  	s7 =	smul.u32 @!p0 $0xF7A, s2;
	p2 =	seq.s32 @!p0 s5, $0x0  }
0x1f: {  	s9 =	smul.u32 $0xF7A, s1;
	s8 =	simm.s32 @!p0 $0x1BF5;
	p2 =	por !p2, p0  }
0x20: {  	[sflag:s8] =	ssyncset.s32 @!p0 $0xFFFFF086;
	s6 =	sadd.s32 @!p0 s3, s7;
	s7 =	simm.s32 @!p0 $0x108  }
0x21: {  	s3 =	sadd.s32 s3, s9;
	s6 =	sadd.s32 @!p0 $0x88, s6;
	s7 =	simm.s32 @p2 $0x1082  }
0x22: {  	[simem:s7], [sflag:s8] =	dma.local @!p0 [hbm:s6], $0xF7A  }
0x23: {  	s9 =	sor.u32 $0xD0000000, s2;
	s6 =	simm.s32 $0x108;
	_ =	swait.ge @!p0 [sflag:s8], $0x0  }
0x24: {  	s3 =	sadd.s32 $0x88, s3;
	s6 =	simm.s32 @!p1 $0x1082;
	[sflag:s4] =	ssyncset.s32 $0xFFFFF086  }
0x25: {  	[simem:s6], [sflag:s4] =	dma.local [hbm:s3], $0xF7A  }
0x26: {  	[smem:$0x3F9D] =	sst s1;
	(tag) =	ssettag s2;
	_ =	strace s9  }
0x27: {  	s1 =	sld [smem:$0x3FAD]  }
0x28: {  	s2 =	sld [smem:$0x3FAE]  }
0x29: {  	s4 =	sld [smem:$0x3FB0]  }
0x2a: {  	p0 =	seq.s32 s5, $0x0;
	s5 =	sld [smem:$0x3FB1]  }
0x2b: {  	s6 =	sld [smem:$0x3FB2]  }
0x2c: {  	s7 =	sld [smem:$0x3FB3]  }
0x2d: {  	s3 =	simm.s32 $0x108;
	s8 =	sld [smem:$0x3FB4]  }
0x2e: {  	s3 =	simm.s32 @!p0 $0x1082;
	s9 =	sld [smem:$0x3FB5]  }
0x2f: {  	lr =	sadd.s32 s0, s3;
	s0 =	sld [smem:$0x3FAC]  }
0x30: {  	s3 =	sld [smem:$0x3FAF]  }
0x31: {  	[smem:$0x3FB8] =	sst s10  }
0x32: {  	s10 =	sld [smem:$0x3FB6];
	_ =	sdelay $0x3  }
0x33: {  	p0 =	seq.s32 s10, $0x1;
	s10 =	sld [smem:$0x3FB8];
	_ =	sdelay $0x3  }
0x34: {  	[smem:$0x3FB8] =	sst s10  }
0x35: {  	s10 =	sld [smem:$0x3FB7];
	_ =	sdelay $0x3  }
0x36: {  	p1 =	seq.s32 s10, $0x1;
	s10 =	sld [smem:$0x3FB8];
	_ =	sdelay $0x3  }
0x37: {  	[smem:$0x3FB8] =	sst s10  }
0x38: {  	s10 =	sld [smem:$0x3FB9]  }
0x39: {  	_ = 	snop;
	(pc) =	sbr.ind lr, $3  }
0x3a: {  	_ = 	snop  }
0x3b: {  	_ = 	snop  }
0x3c: {  	p2 =	seq.s32 s10, $0x1;
	s10 =	sld [smem:$0x3FB8]  }
0x3d: {  	_ =	shalt  }
0x3e: {  	_ =	shalt  }
0x3f: {  	_ =	shalt  }
0x40: {  	_ =	shalt  }
0x41: {  	_ =	shalt  }
0x42: {  	_ =	shalt  }
0x43: {  	_ =	shalt  }
0x44: {  	_ =	shalt  }
0x45: {  	_ =	shalt  }
0x46: {  	_ =	shalt  }
0x47: {  	_ =	shalt  }
0x48: {  	_ =	shalt  }
0x49: {  	_ =	shalt  }
0x4a: {  	_ =	shalt  }
0x4b: {  	_ =	shalt  }
0x4c: {  	_ =	shalt  }
0x4d: {  	_ =	shalt  }
0x4e: {  	_ =	shalt  }
0x4f: {  	_ =	shalt  }
0x50: {  	_ =	shalt  }
0x51: {  	_ =	shalt  }
0x52: {  	_ =	shalt  }
0x53: {  	_ =	shalt  }
0x54: {  	_ =	shalt  }
0x55: {  	_ =	shalt  }
0x56: {  	_ =	shalt  }
0x57: {  	_ =	shalt  }
0x58: {  	_ =	shalt  }
0x59: {  	_ =	shalt  }
0x5a: {  	_ =	shalt  }
0x5b: {  	_ =	shalt  }
0x5c: {  	_ =	shalt  }
0x5d: {  	_ =	shalt  }
0x5e: {  	_ =	shalt  }
0x5f: {  	_ =	shalt  }
0x60: {  	_ =	shalt  }
0x61: {  	_ =	shalt  }
0x62: {  	_ =	shalt  }
0x63: {  	_ =	shalt  }
0x64: {  	_ =	shalt  }
0x65: {  	_ =	shalt  }
0x66: {  	_ =	shalt  }
0x67: {  	_ =	shalt  }
0x68: {  	_ =	shalt  }
0x69: {  	_ =	shalt  }
0x6a: {  	_ =	shalt  }
0x6b: {  	_ =	shalt  }
0x6c: {  	_ =	shalt  }
0x6d: {  	_ =	shalt  }
0x6e: {  	_ =	shalt  }
0x6f: {  	_ =	shalt  }
0x70: {  	_ =	shalt  }
0x71: {  	_ =	shalt  }
0x72: {  	_ =	shalt  }
0x73: {  	_ =	shalt  }
0x74: {  	_ =	shalt  }
0x75: {  	_ =	shalt  }
0x76: {  	_ =	shalt  }
0x77: {  	_ =	shalt  }
0x78: {  	_ =	shalt  }
0x79: {  	_ =	shalt  }
0x7a: {  	_ =	shalt  }
0x7b: {  	_ =	shalt  }
0x7c: {  	_ =	shalt  }
0x7d: {  	_ =	shalt  }
0x7e: {  	_ =	shalt  }
0x7f: {  	_ =	shalt  }
0x80: {  	_ =	shalt  }
0x81: {  	_ =	shalt  }
0x82: {  	_ =	shalt  }
0x83: {  	_ =	shalt  }
0x84: {  	_ =	shalt  }
0x85: {  	_ =	shalt  }
0x86: {  	_ =	shalt  }
0x87: {  	_ =	shalt  }
.Lfunc_end0:
.L_simem_size_0:
called_computation_lowered:
.L_overlay_start_0:
0x88: {  	s2 =	sld [smem:$0x3FD9]  }
0x89: {  	s3 =	sld [smem:$0x3FFE];
	_ =	sdelay $0x1  }
0x8a: {  	s1 =	srdreg.scid  }
0x8b: {  	s0 =	sand.u32 $0x1, s1  }
0x8c: {  	s17 =	sshll.u32 s0, $0xA;
	s2 =	sadd.s32 s3, s2  }
0x8d: {  	s2 =	sadd.s32 s2, s17  }
0x8e: {  	[smem:$0x3FC4] =	sst s2  }
0x8f: {  	_ = 	snop  }
0x90: {  	s2 =	sld [smem:$0x3FC9]  }
0x91: {  	s18 =	sld [smem:$0x3FC8]  }
0x92: {  	s4 =	sld [smem:$0x3FC7]  }
0x93: {  	s5 =	sld [smem:$0x3FD0];
	(tm) =	ssettm $0x1  }
0x94: {  	s6 =	sld [smem:$0x3FFB];
	_ =	sdelay $0x3  }
0x95: {  	_ =	strace s6  }
0x96: {  	s6 =	sld [smem:$0x3FFC];
	_ =	sdelay $0x3  }
0x97: {  	_ =	strace s6  }
0x98: {  	s6 =	sld [smem:$0x3FFD];
	_ =	sdelay $0x3  }
0x99: {  	_ =	strace s6  }
0x9a: {  	_ =	strace $0x8FFFFFFF  }
0x9b: {  	s19 =	sld [smem:$0x3FDB];
	_ =	sdelay $0x1  }
0x9c: {  	s7 =	simm.s32 $_scs_section_size  }
0x9d: {  	s8 =	simm.s32 $_size__tile_overlayer_lowered;
	s9 =	simm.s32 $_tile_overlayer_lowered  }
0x9e: {  	s22 =	simm.s32 $0x1BFF;
	s21 =	sshll.u32 s9, $0x1;
	s6 =	sadd.s32 s7, s19  }
0x9f: {  	s10 =	simm.s32 $0x0;
	s20 =	sshll.u32 s8, $0x1;
	s8 =	sadd.s32 s21, s6  }
0xa0: {  	[timem:s10], [sflag:s22] =	dma.local [hbm:s8], s20  }
0xa1: {  	_ =	swait.ge [sflag:s22], s20  }
0xa2: {  	s7 =	ssub.s32 $0x0, s20;
	[sflag:s22] =	ssyncset.done $0x0  }
0xa3: {  	[sflag:s22] =	ssyncadd.s32 s7;
	_ =	sdelay $0x1  }
0xa4: {  	s23 =	simm.s32 $0x1B8B  }
0xa5: {  	_ =	swait.ge [sflag:s23], $0x1  }
0xa6: {  	[sflag:s23] =	ssyncset.done $0x0  }
0xa7: {  	s25 =	simm.s32 $0x1B8E;
	s24 =	sld [smem:$0x3FFE];
	[sflag:s23] =	ssyncadd.s32 $0xFFFFFFFF  }
0xa8: {  	s26 =	simm.s32 $execute0_lowered;
	[smem:$0x3FD2] =	sst s25  }
0xa9: {  	s8 =	sshll.u32 s26, $0x1;
	_ =	strace $0x80000046;
	[dreg:$0x1] =	wrdreg $0xFFFFFFFF  }
0xaa: {  	s28 =	simm.s32 $_size_execute0_lowered;
	s6 =	sadd.s32 s6, s8;
	[dreg:$0x0] =	wrdreg $0x0  }
0xab: {  	s8 =	sshll.u32 s28, $0x1;
	[dreg:$0x2] =	wrdreg s6  }
0xac: {  	[dreg:$0x3] =	wrdreg s8  }
0xad: {  	[dreg:$0x4] =	wrdreg $0xC0  }
0xae: {  	_ =	task [dreg:s10], $0x5FFFF  }
0xaf: {  	[dreg:$0x1] =	wrdreg $0xFFFFFFFF  }
0xb0: {  	[dreg:$0x0] =	wrdreg $0x60  }
0xb1: {  	[dreg:$0x2] =	wrdreg s2  }
0xb2: {  	[dreg:$0x3] =	wrdreg s18  }
0xb3: {  	[dreg:$0x4] =	wrdreg s4  }
0xb4: {  	[dreg:$0x5] =	wrdreg s24  }
0xb5: {  	[dreg:$0x6] =	wrdreg s5  }
0xb6: {  	[dreg:$0x7] =	wrdreg $0x9  }
0xb7: {  	_ =	task.clear_ibuf [dreg:s10], $0x8FFFF;
	_ =	strace $0x90000046  }
0xb8: {  	s29 =	simm.s32 $0x9;
	_ =	strace $0x80000048  }
0xb9: {  	_ =	swait.ge [sflag:s29], $0x1  }
0xba: {  	[sflag:s29] =	ssyncadd.s32 $0xFFFFFFFF  }
0xbb: {  	_ =	strace $0x90000048  }
0xbc: {  	_ =	sfence  }
0xbd: {  	s30 =	sld [smem:$0x0];
	_ =	sdelay $0x2  }
0xbe: {  	s31 =	sshll.u32 s1, $0xD;
	s1 =	sshrl.u32 s1, $0x2  }
0xbf: {  	s3 =	sand.u32 $0x4000, s31;
	s1 =	sadd.s32 s1, s30  }
0xc0: {  	s0 =	sor.u32 s3, s0;
	s1 =	sshll.u32 s1, $0x11  }
0xc1: {  	s0 =	sor.u32 s1, s0  }
0xc2: {  	s0 =	sadd.s32 $0x8F2B, s0  }
0xc3: {  	[sflag:s0] =	ssyncadd.remote.s32 $0x1  }
0xc4: {  	_ =	sfence.sel $0xFFFF  }
0xc5: {  	[dreg:$0x0] =	wrdreg $0xFFFFFFFF;
	(pc) =	sbr.abs _section_cstart, $3  }
0xc6: {  	[dreg:$0x1] =	wrdreg $0xFFFFFFFF  }
0xc7: {  	_ =	task.clear_ibuf [dreg:s10], $0x2FFFF;
	_ =	strace $0x9FFFFFFF  }
0xc8: {  	(tm) =	ssettm $0x7FFFFFFF  }
0xc9: {  	_ =	shalt  }
tec
execute0_lowered:
.L_overlay_start_1:
0x0: {  	(tag) =	ssettag $0x1  }
0x1: {  	s1 =	rddreg [dreg:$0x0]  }
0x2: {  	s2 =	rddreg [dreg:$0x1]  }
0x3: {  	s3 =	rddreg [dreg:$0x2]  }
0x4: {  	s0 =	rddreg [dreg:$0x3]  }
0x5: {  	s5 =	rddreg [dreg:$0x4];
	s4 =	srdreg.scid;
	s6 =	simm.s32 $0x0  }
0x6: {  	s7 =	stileid.u32;
	s18 =	simm.s32 $0x9000;
	s20 =	simm.s32 $0x80  }
0x7: {  	s21 =	simm.s32 $0x400;
	s31 =	simm.s32 $0x12000;
	s29 =	simm.s32 $0x1  }
0x8: {  	s30 =	simm.s32 $0x1B000;
	s22 =	simm.s32 $0x4;
	s23 =	simm.s32 $0x2  }
0x9: {  	s4 =	sand.u32 $0x1, s4;
	[smem:$0x7FF] =	sst s6;
	s7 =	sshll.u32 s7, $0x6  }
0xa: {  	s0 =	sadd.s32 $0x400, s0;
	s16 =	sadd.s32 $0x1200, s5;
	s8 =	sshll.u32 s4, $0x5  }
0xb: {  	_ =	strace $0x80000047;
	s4 =	ssub.s32 $0x2, s4;
	s7 =	sor.u32 s8, s7  }
0xc: {  	[dreg:$0x6] =	wrdreg s0;
	s24 =	sshrl.u32 s4, $0x1;
	s8 =	sshll.u32 s7, $0x9  }
0xd: {  	v0 =	vlaneseq.u32;
	s0 =	ssub.s32 s4, s24;
	s15 =	sadd.s32 $0x20, s7;
	s25 =	sadd.s32 s1, s8  }
0xe: {  	v0 =	vmul.u32 $0x4, v0;
	s4 =	simm.s32 $0x3;
	s9 =	sadd.s32 s2, s8;
	[dreg:$0x7] =	wrdreg s25  }
0xf: {  	s26 =	sor.u32 $0x10, s8;
	s8 =	sadd.s32 s3, s8;
	[dreg:$0x8] =	wrdreg s9  }
0x10: {  	v1 =	vor.u32 $0x40, v0;
	s24 =	simm.s32 $0x0;
	s0 =	smax.u32 s0, $0x1;
	[dreg:$0x9] =	wrdreg s8  }
0x11: {  	v2 =	vor.u32 $0x80, v0;
	v3 =	vor.u32 $0xC0, v0;
	v4 =	vor.u32 $0x100, v0;
	s28 =	sadd.s32 s1, s26;
	s13 =	sadd.s32 s2, s26;
	[dreg:$0xb] =	wrdreg s0  }
0x12: {  	v5 =	vor.u32 $0x140, v0;
	v6 =	vor.u32 $0x180, v0;
	v7 =	vor.u32 $0x1C0, v0;
	s14 =	sadd.s32 s3, s26;
	s0 =	simm.s32 $0x1D400;
	[dreg:$0xa] =	wrdreg s28  }
.LBB2_1:
0x13: {  	s8 =	sand.u32 $0x3, s6;
	s9 =	sand.u32 $0xFE00, s6  }
0x14: {  	s8 =	sor.u32 s9, s8  }
0x15: {  	s25 =	rddreg [dreg:$0x6];
	s26 =	simm.s32 $0x5;
	v8 =	vor.u32 s8, v7  }
0x16: {  	[tilespmem:s18], [sflag:$0x5] =	stream.linear.gather [hbm4b:s25+s6], $0x9000, $0x38;
	v9 =	vor.u32 s8, v0;
	[tilespmem:$0x1F800] =	vst v63  }
0x17: {  	_ =	swait.ge [sflag:s26], $0x9000;
	v10 =	vor.u32 s8, v1  }
0x18: {  	v11 =	vor.u32 s8, v2;
	[sflag:s26] =	ssyncset.done $0x0  }
0x19: {  	v12 =	vor.u32 s8, v3;
	[sflag:s26] =	ssyncadd.s32 $0xFFFF7000  }
0x1a: {  	s28 =	simm.s32 $0x1;
	s17 =	simm.s32 $0x80;
	v13 =	vor.u32 s8, v4;
	v8 =	vld.idx.msk [tilespmem:v8+s18+$0x0], $0xffff  }
0x1b: {  	s9 =	sand.u32 $0x3, s28;
	s17 =	sand.u32 $0xFE00, s17;
	v14 =	vor.u32 s8, v5;
	v19 =	vld.idx.msk [tilespmem:v9+s18+$0x0], $0xffff  }
0x1c: {  	v20 =	vor.u32 s8, v6;
	s9 =	sor.u32 s17, s9;
	v21 =	vld.idx.msk [tilespmem:v10+s18+$0x0], $0xffff  }
0x1d: {  	v22 =	vor.u32 s9, v7;
	v17 =	vld.idx.msk [tilespmem:v11+s18+$0x0], $0xffff  }
0x1e: {  	v18 =	vor.u32 s9, v0;
	v15 =	vld.idx.msk [tilespmem:v12+s18+$0x0], $0xffff  }
0x1f: {  	s8 =	simm.s32 $0x40;
	v16 =	vld.idx.msk [tilespmem:v13+s18+$0x0], $0xffff;
	v13 =	vor.u32 s9, v1  }
0x20: {  	v14 =	vld.idx.msk [tilespmem:v14+s18+$0x0], $0xffff;
	v12 =	vor.u32 s9, v2;
	[tilespmem:s8+$0x30] =	vst v8  }
0x21: {  	v9 =	vor.u32 s9, v3;
	[tilespmem:s8+$0xFFFFFFC0] =	vst v19;
	v19 =	vld.idx.msk [tilespmem:v20+s18+$0x0], $0xffff  }
0x22: {  	s19 =	simm.s32 $0x2;
	s17 =	simm.s32 $0x8;
	v11 =	vor.u32 s9, v4;
	v10 =	vor.u32 s9, v5;
	v8 =	vor.u32 s9, v6;
	v20 =	vld.idx.msk [tilespmem:v22+s18+$0x0], $0xffff;
	s9 =	simm.s32 $0x100;
	[tilespmem:s8+$0xFFFFFFD0] =	vst v21  }
.LBB2_2:
0x23: {  	s25 =	sand.u32 $0x3, s19;
	s26 =	sand.u32 $0xFE00, s9;
	s17 =	sadd.s32 $0x8, s17;
	v21 =	vld.idx.msk [tilespmem:v18+s18+$0x0], $0xffff;
	[tilespmem:s8+$0xFFFFFFE0] =	vst v17  }
0x24: {  	s25 =	sor.u32 s26, s25;
	p0 =	slt.u32 s17, $0x8F8;
	v22 =	vld.idx.msk [tilespmem:v13+s18+$0x0], $0xffff;
	[tilespmem:s8+$0xFFFFFFF0] =	vst v15  }
0x25: {  	v18 =	vor.u32 s25, v0;
	v13 =	vor.u32 s25, v1;
	v23 =	vor.u32 s25, v7;
	v17 =	vld.idx.msk [tilespmem:v12+s18+$0x0], $0xffff;
	[tilespmem:s8+$0x0] =	vst v16  }
.Ltmp0:
0x26: {  	v12 =	vor.u32 s25, v2;
	v24 =	vor.u32 s25, v4;
	v15 =	vld.idx.msk [tilespmem:v9+s18+$0x0], $0xffff;
	v9 =	vor.u32 s25, v3;
	[tilespmem:s8+$0x10] =	vst v14;
	(pc) =	sbr.rel @p0 .LBB2_2-.Ltmp0, $4  }
0x27: {  	v25 =	vor.u32 s25, v5;
	v26 =	vor.u32 s25, v6;
	v16 =	vld.idx.msk [tilespmem:v11+s18+$0x0], $0xffff;
	[tilespmem:s8+$0x20] =	vst v19;
	s8 =	sadd.s32 $0x80, s8;
	v11 =	vmov v24  }
0x28: {  	v14 =	vld.idx.msk [tilespmem:v10+s18+$0x0], $0xffff;
	[tilespmem:s8+$0x30] =	vst v20;
	v10 =	vmov v25  }
0x29: {  	[tilespmem:s8+$0xFFFFFFC0] =	vst v21;
	v19 =	vld.idx.msk [tilespmem:v8+s18+$0x0], $0xffff;
	v8 =	vmov v26  }
0x2a: {  	s19 =	sadd.s32 $0x1, s19;
	s9 =	sadd.s32 $0x80, s9;
	v20 =	vld.idx.msk [tilespmem:v23+s18+$0x0], $0xffff;
	[tilespmem:s8+$0xFFFFFFD0] =	vst v22  }
0x2b: {  	_ =	sdelay $0x2  }
0x2c: {  	[tilespmem:s8+$0xFFFFFFE0] =	vst v17  }
0x2d: {  	v63 =	vld.idx.msk [tilespmem:v18+s18+$0x0], $0xffff;
	[tilespmem:s8+$0xFFFFFFF0] =	vst v15  }
0x2e: {  	v13 =	vld.idx.msk [tilespmem:v13+s18+$0x0], $0xffff;
	[tilespmem:s8+$0x0] =	vst v16  }
0x2f: {  	v12 =	vld.idx.msk [tilespmem:v12+s18+$0x0], $0xffff;
	[tilespmem:s8+$0x10] =	vst v14  }
0x30: {  	v9 =	vld.idx.msk [tilespmem:v9+s18+$0x0], $0xffff;
	s12 =	sadd.s32 $0x80, s8;
	[tilespmem:s8+$0x20] =	vst v19  }
0x31: {  	v11 =	vld.idx.msk [tilespmem:v11+s18+$0x0], $0xffff;
	[tilespmem:s12+$0x30] =	vst v20  }
0x32: {  	v10 =	vld.idx.msk [tilespmem:v10+s18+$0x0], $0xffff;
	[tilespmem:s12+$0xFFFFFFC0] =	vst v63  }
0x33: {  	v8 =	vld.idx.msk [tilespmem:v8+s18+$0x0], $0xffff;
	[tilespmem:s12+$0xFFFFFFD0] =	vst v13  }
0x34: {  	[tilespmem:s12+$0xFFFFFFE0] =	vst v12  }
0x35: {  	[tilespmem:s12+$0xFFFFFFF0] =	vst v9  }
0x36: {  	[tilespmem:s12+$0x0] =	vst v11  }
0x37: {  	[tilespmem:s12+$0x10] =	vst v10  }
0x38: {  	[tilespmem:s12+$0x20] =	vst v8  }
0x39: {  	s9 =	rddreg [dreg:$0x7]  }
0x3a: {  	[tilespmem:s18], [sflag:$0x1] =	stream.strided.gather [hbm4b:s9+s20], $0x1000, s21, s20, $0x38;
	[tilespmem:$0x1F800] =	vst v63  }
0x3b: {  	s10 =	simm.s32 $0xA000;
	s17 =	sadd.s32 $0x80000, s9  }
0x3c: {  	[tilespmem:s10], [sflag:$0x1] =	stream.strided.gather [hbm4b:s17+s20], $0x1000, s21, s20, $0x38;
	[tilespmem:$0x1F800] =	vst v63  }
0x3d: {  	s25 =	simm.s32 $0xB000;
	s19 =	sadd.s32 $0x100000, s9  }
0x3e: {  	[tilespmem:s25], [sflag:$0x1] =	stream.strided.gather [hbm4b:s19+s20], $0x1000, s21, s20, $0x38;
	[tilespmem:$0x1F800] =	vst v63  }
0x3f: {  	s28 =	simm.s32 $0xC000;
	s26 =	rddreg [dreg:$0x8]  }
0x40: {  	[tilespmem:s28], [sflag:$0x1] =	stream.strided.gather [hbm4b:s26+s20], $0x1000, s21, s20, $0x38;
	[tilespmem:$0x1F800] =	vst v63  }
0x41: {  	s11 =	simm.s32 $0xD000;
	s10 =	sadd.s32 $0x80000, s26  }
0x42: {  	[tilespmem:s11], [sflag:$0x1] =	stream.strided.gather [hbm4b:s10+s20], $0x1000, s21, s20, $0x38;
	[tilespmem:$0x1F800] =	vst v63  }
0x43: {  	s12 =	sadd.s32 $0x100000, s26;
	s17 =	simm.s32 $0xE000  }
0x44: {  	[tilespmem:s17], [sflag:$0x1] =	stream.strided.gather [hbm4b:s12+s20], $0x1000, s21, s20, $0x38;
	[tilespmem:$0x1F800] =	vst v63  }
0x45: {  	s19 =	rddreg [dreg:$0x9];
	s25 =	simm.s32 $0xF000  }
0x46: {  	[tilespmem:s25], [sflag:$0x1] =	stream.strided.gather [hbm4b:s19+s20], $0x1000, s21, s20, $0x38;
	[tilespmem:$0x1F800] =	vst v63  }
0x47: {  	s26 =	sadd.s32 $0x80000, s19;
	s28 =	simm.s32 $0x10000  }
0x48: {  	[tilespmem:s28], [sflag:$0x1] =	stream.strided.gather [hbm4b:s26+s20], $0x1000, s21, s20, $0x38;
	[tilespmem:$0x1F800] =	vst v63  }
0x49: {  	s10 =	sadd.s32 $0x100000, s19;
	s11 =	simm.s32 $0x11000  }
0x4a: {  	[tilespmem:s11], [sflag:$0x1] =	stream.strided.gather [hbm4b:s10+s20], $0x1000, s21, s20, $0x38;
	[tilespmem:$0x1F800] =	vst v63  }
0x4b: {  	s12 =	rddreg [dreg:$0xa]  }
0x4c: {  	[tilespmem:s31], [sflag:$0x2] =	stream.strided.gather [hbm4b:s12+s20], $0x1000, s21, s20, $0x38;
	[tilespmem:$0x1F800] =	vst v63  }
0x4d: {  	s17 =	sadd.s32 $0x80000, s12;
	s19 =	simm.s32 $0x13000  }
0x4e: {  	[tilespmem:s19], [sflag:$0x2] =	stream.strided.gather [hbm4b:s17+s20], $0x1000, s21, s20, $0x38;
	[tilespmem:$0x1F800] =	vst v63  }
0x4f: {  	s25 =	sadd.s32 $0x100000, s12;
	s26 =	simm.s32 $0x14000  }
0x50: {  	[tilespmem:s26], [sflag:$0x2] =	stream.strided.gather [hbm4b:s25+s20], $0x1000, s21, s20, $0x38;
	[tilespmem:$0x1F800] =	vst v63  }
0x51: {  	s28 =	simm.s32 $0x15000  }
0x52: {  	[tilespmem:s28], [sflag:$0x2] =	stream.strided.gather [hbm4b:s13+s20], $0x1000, s21, s20, $0x38;
	[tilespmem:$0x1F800] =	vst v63  }
0x53: {  	s9 =	sadd.s32 $0x80000, s13;
	s10 =	simm.s32 $0x16000  }
0x54: {  	[tilespmem:s10], [sflag:$0x2] =	stream.strided.gather [hbm4b:s9+s20], $0x1000, s21, s20, $0x38;
	[tilespmem:$0x1F800] =	vst v63  }
0x55: {  	s11 =	sadd.s32 $0x100000, s13;
	s12 =	simm.s32 $0x17000  }
0x56: {  	[tilespmem:s12], [sflag:$0x2] =	stream.strided.gather [hbm4b:s11+s20], $0x1000, s21, s20, $0x38;
	[tilespmem:$0x1F800] =	vst v63  }
0x57: {  	s17 =	simm.s32 $0x18000  }
0x58: {  	[tilespmem:s17], [sflag:$0x2] =	stream.strided.gather [hbm4b:s14+s20], $0x1000, s21, s20, $0x38;
	[tilespmem:$0x1F800] =	vst v63  }
0x59: {  	s19 =	sadd.s32 $0x80000, s14;
	s25 =	simm.s32 $0x19000  }
0x5a: {  	[tilespmem:s25], [sflag:$0x2] =	stream.strided.gather [hbm4b:s19+s20], $0x1000, s21, s20, $0x38;
	[tilespmem:$0x1F800] =	vst v63  }
0x5b: {  	s26 =	sadd.s32 $0x100000, s14;
	s28 =	simm.s32 $0x1A000;
	s25 =	simm.s32 $0x0  }
0x5c: {  	[tilespmem:s28], [sflag:$0x2] =	stream.strided.gather [hbm4b:s26+s20], $0x1000, s21, s20, $0x38;
	[tilespmem:$0x1F800] =	vst v63  }
.LBB2_4:
0x5d: {  	_ =	swait.ge [sflag:s29], $0x3000  }
0x5e: {  	[sflag:s29] =	ssyncset.done $0x0  }
0x5f: {  	[sflag:s29] =	ssyncadd.s32 $0xFFFFD000  }
0x60: {  	_ =	swait.ge [sflag:s29], $0x3000  }
0x61: {  	[sflag:s29] =	ssyncset.done $0x0  }
0x62: {  	[sflag:s29] =	ssyncadd.s32 $0xFFFFD000  }
0x63: {  	_ =	swait.ge [sflag:s29], $0x3000  }
0x64: {  	p0 =	seq.s32 s25, $0x0;
	[sflag:s29] =	ssyncset.done $0x0  }
0x65: {  	s8 =	simm.s32 @!p0 $0x3;
	[sflag:s29] =	ssyncadd.s32 $0xFFFFD000  }
0x66: {  	_ =	swait.ge @!p0 [sflag:s8], $0x2400  }
0x67: {  	[sflag:s8] =	ssyncset.done @!p0 $0x0  }
0x68: {  	s26 =	simm.s32 $0x40;
	[sflag:s8] =	ssyncadd.s32 @!p0 $0xFFFFDC00  }
0x69: {  	v8 =	vld [tilespmem:s26+$0x30]  }
0x6a: {  	v9 =	vld [tilespmem:s26+$0xFFFFFFD0]  }
0x6b: {  	v10 =	vld [tilespmem:s26+$0xFFFFFFE0]  }
0x6c: {  	v11 =	vld [tilespmem:s26+$0xFFFFFFF0]  }
0x6d: {  	v13 =	vld [tilespmem:s26+$0x0]  }
0x6e: {  	v14 =	vld [tilespmem:s26+$0x10]  }
0x6f: {  	v15 =	vld [tilespmem:s26+$0x20]  }
0x70: {  	v16 =	vld [tilespmem:s26+$0xFFFFFFC0]  }
0x71: {  	v17 =	vld.idx.msk [tilespmem:v8+s18+$0x0], $0xffff  }
0x72: {  	v18 =	vld.idx.msk [tilespmem:v9+s18+$0x0], $0xffff  }
0x73: {  	v12 =	vld.idx.msk [tilespmem:v10+s18+$0x0], $0xffff  }
0x74: {  	v11 =	vld.idx.msk [tilespmem:v11+s18+$0x0], $0xffff  }
0x75: {  	v8 =	vld.idx.msk [tilespmem:v13+s18+$0x0], $0xffff  }
0x76: {  	s17 =	simm.s32 $0x1B040;
	v9 =	vld.idx.msk [tilespmem:v14+s18+$0x0], $0xffff  }
0x77: {  	s28 =	sshll.u32 s25, $0x1;
	v10 =	vld.idx.msk [tilespmem:v15+s18+$0x0], $0xffff;
	[tilespmem:s17+$0x30] =	vst v17  }
0x78: {  	s9 =	simm.s32 $0xC0;
	s8 =	simm.s32 $0x0;
	s26 =	sadd.s32 s7, s28;
	v13 =	vld.idx.msk [tilespmem:v16+s18+$0x0], $0xffff;
	[tilespmem:s17+$0xFFFFFFD0] =	vst v18  }
.LBB2_5:
0x79: {  	v14 =	vld [tilespmem:s9+$0x30];
	s8 =	sadd.s32 $0x8, s8;
	[tilespmem:s17+$0xFFFFFFE0] =	vst v12  }
0x7a: {  	v12 =	vld [tilespmem:s9+$0xFFFFFFD0];
	p1 =	slt.u32 s8, $0x238;
	[tilespmem:s17+$0xFFFFFFF0] =	vst v11  }
0x7b: {  	v11 =	vld [tilespmem:s9+$0xFFFFFFE0];
	[tilespmem:s17+$0x0] =	vst v8  }
0x7c: {  	v8 =	vld [tilespmem:s9+$0xFFFFFFF0];
	[tilespmem:s17+$0x10] =	vst v9  }
0x7d: {  	v9 =	vld [tilespmem:s9+$0x0];
	[tilespmem:s17+$0x20] =	vst v10  }
0x7e: {  	v10 =	vld [tilespmem:s9+$0x10];
	[tilespmem:s17+$0xFFFFFFC0] =	vst v13  }
0x7f: {  	v13 =	vld [tilespmem:s9+$0x20]  }
0x80: {  	v15 =	vld [tilespmem:s9+$0xFFFFFFC0]  }
0x81: {  	v14 =	vld.idx.msk [tilespmem:v14+s18+$0x0], $0xffff  }
0x82: {  	v16 =	vld.idx.msk [tilespmem:v12+s18+$0x0], $0xffff  }
0x83: {  	v12 =	vld.idx.msk [tilespmem:v11+s18+$0x0], $0xffff  }
.Ltmp1:
0x84: {  	v11 =	vld.idx.msk [tilespmem:v8+s18+$0x0], $0xffff;
	(pc) =	sbr.rel @p1 .LBB2_5-.Ltmp1, $4  }
0x85: {  	v8 =	vld.idx.msk [tilespmem:v9+s18+$0x0], $0xffff  }
0x86: {  	s17 =	sadd.s32 $0x80, s17;
	v9 =	vld.idx.msk [tilespmem:v10+s18+$0x0], $0xffff  }
0x87: {  	v10 =	vld.idx.msk [tilespmem:v13+s18+$0x0], $0xffff;
	[tilespmem:s17+$0x30] =	vst v14  }
0x88: {  	s9 =	sadd.s32 $0x80, s9;
	v13 =	vld.idx.msk [tilespmem:v15+s18+$0x0], $0xffff;
	[tilespmem:s17+$0xFFFFFFD0] =	vst v16  }
0x89: {  	[tilespmem:s17+$0xFFFFFFE0] =	vst v12  }
0x8a: {  	[tilespmem:s17+$0xFFFFFFF0] =	vst v11  }
0x8b: {  	[tilespmem:s17+$0x0] =	vst v8  }
0x8c: {  	s8 =	smul.u32 $0x1200, s26;
	[tilespmem:s17+$0x10] =	vst v9  }
0x8d: {  	[tilespmem:s17+$0x20] =	vst v10  }
0x8e: {  	s9 =	sadd.s32 s5, s8;
	[tilespmem:s17+$0xFFFFFFC0] =	vst v13  }
0x8f: {  	[hbm4b:s9+s6] =	stream.linear.scatter [tilespmem:s30], [sflag:$0x3], $0x2400, $0x38;
	[tilespmem:$0x1F800] =	vst v63  }
0x90: {  	s9 =	simm.s32 @!p0 $0x4  }
0x91: {  	_ =	swait.ge @!p0 [sflag:s9], $0x2400  }
0x92: {  	[sflag:s9] =	ssyncset.done @!p0 $0x0  }
0x93: {  	s28 =	simm.s32 $0x2470;
	[sflag:s9] =	ssyncadd.s32 @!p0 $0xFFFFDC00  }
0x94: {  	v8 =	vld [tilespmem:s28+$0x0]  }
0x95: {  	v9 =	vld [tilespmem:s28+$0xFFFFFFA0]  }
0x96: {  	v10 =	vld [tilespmem:s28+$0xFFFFFFB0]  }
0x97: {  	v11 =	vld [tilespmem:s28+$0xFFFFFFC0]  }
0x98: {  	v14 =	vld [tilespmem:s28+$0xFFFFFFD0]  }
0x99: {  	v15 =	vld [tilespmem:s28+$0xFFFFFFE0]  }
0x9a: {  	v16 =	vld [tilespmem:s28+$0xFFFFFFF0]  }
0x9b: {  	v17 =	vld [tilespmem:s28+$0xFFFFFF90]  }
0x9c: {  	v18 =	vld.idx.msk [tilespmem:v8+s18+$0x0], $0xffff  }
0x9d: {  	v19 =	vld.idx.msk [tilespmem:v9+s18+$0x0], $0xffff  }
0x9e: {  	v13 =	vld.idx.msk [tilespmem:v10+s18+$0x0], $0xffff  }
0x9f: {  	v12 =	vld.idx.msk [tilespmem:v11+s18+$0x0], $0xffff  }
0xa0: {  	v9 =	vld.idx.msk [tilespmem:v14+s18+$0x0], $0xffff  }
0xa1: {  	s17 =	simm.s32 $0x1D440;
	v10 =	vld.idx.msk [tilespmem:v15+s18+$0x0], $0xffff  }
0xa2: {  	v8 =	vld.idx.msk [tilespmem:v16+s18+$0x0], $0xffff;
	[tilespmem:s17+$0x30] =	vst v18  }
0xa3: {  	s19 =	simm.s32 $0x0;
	s9 =	simm.s32 $0x24F0;
	v11 =	vld.idx.msk [tilespmem:v17+s18+$0x0], $0xffff;
	[tilespmem:s17+$0xFFFFFFD0] =	vst v19  }
.LBB2_7:
0xa4: {  	v14 =	vld [tilespmem:s9+$0x0];
	s19 =	sadd.s32 $0x8, s19;
	[tilespmem:s17+$0xFFFFFFE0] =	vst v13  }
0xa5: {  	v13 =	vld [tilespmem:s9+$0xFFFFFFA0];
	p0 =	slt.u32 s19, $0x238;
	[tilespmem:s17+$0xFFFFFFF0] =	vst v12  }
0xa6: {  	v12 =	vld [tilespmem:s9+$0xFFFFFFB0];
	[tilespmem:s17+$0x0] =	vst v9  }
0xa7: {  	v9 =	vld [tilespmem:s9+$0xFFFFFFC0];
	[tilespmem:s17+$0x10] =	vst v10  }
0xa8: {  	v10 =	vld [tilespmem:s9+$0xFFFFFFD0];
	[tilespmem:s17+$0x20] =	vst v8  }
0xa9: {  	v8 =	vld [tilespmem:s9+$0xFFFFFFE0];
	[tilespmem:s17+$0xFFFFFFC0] =	vst v11  }
0xaa: {  	v11 =	vld [tilespmem:s9+$0xFFFFFFF0]  }
0xab: {  	v15 =	vld [tilespmem:s9+$0xFFFFFF90]  }
0xac: {  	v14 =	vld.idx.msk [tilespmem:v14+s18+$0x0], $0xffff  }
0xad: {  	v16 =	vld.idx.msk [tilespmem:v13+s18+$0x0], $0xffff  }
0xae: {  	v13 =	vld.idx.msk [tilespmem:v12+s18+$0x0], $0xffff  }
.Ltmp2:
0xaf: {  	v12 =	vld.idx.msk [tilespmem:v9+s18+$0x0], $0xffff;
	(pc) =	sbr.rel @p0 .LBB2_7-.Ltmp2, $4  }
0xb0: {  	v9 =	vld.idx.msk [tilespmem:v10+s18+$0x0], $0xffff  }
0xb1: {  	s17 =	sadd.s32 $0x80, s17;
	v10 =	vld.idx.msk [tilespmem:v8+s18+$0x0], $0xffff  }
0xb2: {  	v8 =	vld.idx.msk [tilespmem:v11+s18+$0x0], $0xffff;
	[tilespmem:s17+$0x30] =	vst v14  }
0xb3: {  	s9 =	sadd.s32 $0x80, s9;
	v11 =	vld.idx.msk [tilespmem:v15+s18+$0x0], $0xffff;
	[tilespmem:s17+$0xFFFFFFD0] =	vst v16  }
0xb4: {  	[tilespmem:s17+$0xFFFFFFE0] =	vst v13  }
0xb5: {  	[tilespmem:s17+$0xFFFFFFF0] =	vst v12;
	s9 =	smul.u32 $0x9000, s26  }
0xb6: {  	[tilespmem:s17+$0x0] =	vst v9  }
0xb7: {  	[tilespmem:s17+$0x10] =	vst v10;
	s9 =	sshrl.u32 s9, $0x3  }
0xb8: {  	[tilespmem:s17+$0x20] =	vst v8;
	s28 =	sadd.s32 s5, s9  }
0xb9: {  	s19 =	simm.s32 $0x0;
	[tilespmem:s17+$0xFFFFFFC0] =	vst v11;
	s9 =	sadd.s32 $0x480, s28  }
0xba: {  	[hbm4b:s9+s19] =	stream.linear.scatter [tilespmem:s0], [sflag:$0x4], $0x2400, $0x38;
	[tilespmem:$0x1F800] =	vst v63  }
0xbb: {  	_ =	swait.ge [sflag:s4], $0x2400  }
0xbc: {  	[sflag:s4] =	ssyncset.done $0x0  }
0xbd: {  	s17 =	simm.s32 $0x0;
	[sflag:s4] =	ssyncadd.s32 $0xFFFFDC00  }
0xbe: {  	v9 =	vld [tilespmem:s17+$0x4870]  }
0xbf: {  	v10 =	vld [tilespmem:s17+$0x4800]  }
0xc0: {  	v11 =	vld [tilespmem:s17+$0x4810]  }
0xc1: {  	v12 =	vld [tilespmem:s17+$0x4820]  }
0xc2: {  	v15 =	vld [tilespmem:s17+$0x4830]  }
0xc3: {  	v16 =	vld [tilespmem:s17+$0x4840]  }
0xc4: {  	v17 =	vld [tilespmem:s17+$0x4850]  }
0xc5: {  	v8 =	vld [tilespmem:s17+$0x4860]  }
0xc6: {  	v18 =	vld.idx.msk [tilespmem:v9+s18+$0x0], $0xffff  }
0xc7: {  	v14 =	vld.idx.msk [tilespmem:v10+s18+$0x0], $0xffff  }
0xc8: {  	v13 =	vld.idx.msk [tilespmem:v11+s18+$0x0], $0xffff  }
0xc9: {  	v12 =	vld.idx.msk [tilespmem:v12+s18+$0x0], $0xffff  }
0xca: {  	v11 =	vld.idx.msk [tilespmem:v15+s18+$0x0], $0xffff  }
0xcb: {  	v9 =	vld.idx.msk [tilespmem:v16+s18+$0x0], $0xffff  }
0xcc: {  	s19 =	simm.s32 $0x0;
	s9 =	simm.s32 $0x200;
	v10 =	vld.idx.msk [tilespmem:v17+s18+$0x0], $0xffff;
	[tilespmem:s17+$0x1B070] =	vst v18  }
.LBB2_9:
0xcd: {  	s10 =	sshra.s32 s9, $0x2;
	s19 =	sadd.s32 $0x8, s19;
	[tilespmem:s17+$0x1B000] =	vst v14;
	v8 =	vld.idx.msk [tilespmem:v8+s18+$0x0], $0xffff  }
0xce: {  	v14 =	vld [tilespmem:s10+$0x4870];
	p0 =	slt.u32 s19, $0x238;
	[tilespmem:s17+$0x1B010] =	vst v13  }
0xcf: {  	v13 =	vld [tilespmem:s10+$0x4800];
	[tilespmem:s17+$0x1B020] =	vst v12  }
0xd0: {  	v12 =	vld [tilespmem:s10+$0x4810];
	[tilespmem:s17+$0x1B030] =	vst v11  }
0xd1: {  	v11 =	vld [tilespmem:s10+$0x4820];
	[tilespmem:s17+$0x1B040] =	vst v9  }
0xd2: {  	v9 =	vld [tilespmem:s10+$0x4830];
	[tilespmem:s17+$0x1B050] =	vst v10  }
0xd3: {  	v10 =	vld [tilespmem:s10+$0x4840];
	[tilespmem:s17+$0x1B060] =	vst v8;
	s17 =	smov.u32 s10  }
0xd4: {  	v15 =	vld [tilespmem:s17+$0x4850]  }
0xd5: {  	v8 =	vld [tilespmem:s17+$0x4860]  }
0xd6: {  	v16 =	vld.idx.msk [tilespmem:v14+s18+$0x0], $0xffff  }
0xd7: {  	v14 =	vld.idx.msk [tilespmem:v13+s18+$0x0], $0xffff  }
.Ltmp3:
0xd8: {  	v13 =	vld.idx.msk [tilespmem:v12+s18+$0x0], $0xffff;
	(pc) =	sbr.rel @p0 .LBB2_9-.Ltmp3, $4  }
0xd9: {  	v12 =	vld.idx.msk [tilespmem:v11+s18+$0x0], $0xffff  }
0xda: {  	v11 =	vld.idx.msk [tilespmem:v9+s18+$0x0], $0xffff  }
0xdb: {  	v9 =	vld.idx.msk [tilespmem:v10+s18+$0x0], $0xffff  }
0xdc: {  	s9 =	sadd.s32 $0x200, s9;
	v10 =	vld.idx.msk [tilespmem:v15+s18+$0x0], $0xffff;
	[tilespmem:s17+$0x1B070] =	vst v16  }
0xdd: {  	_ =	sdelay $0x2  }
0xde: {  	[tilespmem:s17+$0x1B000] =	vst v14  }
0xdf: {  	v8 =	vld.idx.msk [tilespmem:v8+s18+$0x0], $0xffff;
	[tilespmem:s17+$0x1B010] =	vst v13  }
0xe0: {  	[tilespmem:s17+$0x1B020] =	vst v12  }
0xe1: {  	[tilespmem:s17+$0x1B030] =	vst v11  }
0xe2: {  	[tilespmem:s17+$0x1B040] =	vst v9  }
0xe3: {  	[tilespmem:s17+$0x1B050] =	vst v10  }
0xe4: {  	s9 =	sadd.s32 $0x900, s28;
	s10 =	simm.s32 $0x0;
	[tilespmem:s17+$0x1B060] =	vst v8  }
0xe5: {  	[hbm4b:s9+s10] =	stream.linear.scatter [tilespmem:s30], [sflag:$0x3], $0x2400, $0x38;
	[tilespmem:$0x1F800] =	vst v63  }
0xe6: {  	_ =	swait.ge [sflag:s22], $0x2400  }
0xe7: {  	[sflag:s22] =	ssyncset.done $0x0  }
0xe8: {  	s17 =	simm.s32 $0x0;
	[sflag:s22] =	ssyncadd.s32 $0xFFFFDC00  }
0xe9: {  	v9 =	vld [tilespmem:s17+$0x6C70]  }
0xea: {  	v10 =	vld [tilespmem:s17+$0x6C00]  }
0xeb: {  	v11 =	vld [tilespmem:s17+$0x6C10]  }
0xec: {  	v12 =	vld [tilespmem:s17+$0x6C20]  }
0xed: {  	v15 =	vld [tilespmem:s17+$0x6C30]  }
0xee: {  	v16 =	vld [tilespmem:s17+$0x6C40]  }
0xef: {  	v17 =	vld [tilespmem:s17+$0x6C50]  }
0xf0: {  	v8 =	vld [tilespmem:s17+$0x6C60]  }
0xf1: {  	v18 =	vld.idx.msk [tilespmem:v9+s18+$0x0], $0xffff  }
0xf2: {  	v14 =	vld.idx.msk [tilespmem:v10+s18+$0x0], $0xffff  }
0xf3: {  	v13 =	vld.idx.msk [tilespmem:v11+s18+$0x0], $0xffff  }
0xf4: {  	v12 =	vld.idx.msk [tilespmem:v12+s18+$0x0], $0xffff  }
0xf5: {  	v11 =	vld.idx.msk [tilespmem:v15+s18+$0x0], $0xffff  }
0xf6: {  	v9 =	vld.idx.msk [tilespmem:v16+s18+$0x0], $0xffff  }
0xf7: {  	s19 =	simm.s32 $0x0;
	s9 =	simm.s32 $0x200;
	v10 =	vld.idx.msk [tilespmem:v17+s18+$0x0], $0xffff;
	[tilespmem:s17+$0x1D470] =	vst v18  }
.LBB2_11:
0xf8: {  	s10 =	sshra.s32 s9, $0x2;
	s19 =	sadd.s32 $0x8, s19;
	[tilespmem:s17+$0x1D400] =	vst v14;
	v8 =	vld.idx.msk [tilespmem:v8+s18+$0x0], $0xffff  }
0xf9: {  	v14 =	vld [tilespmem:s10+$0x6C70];
	p0 =	slt.u32 s19, $0x238;
	[tilespmem:s17+$0x1D410] =	vst v13  }
0xfa: {  	v13 =	vld [tilespmem:s10+$0x6C00];
	[tilespmem:s17+$0x1D420] =	vst v12  }
0xfb: {  	v12 =	vld [tilespmem:s10+$0x6C10];
	[tilespmem:s17+$0x1D430] =	vst v11  }
0xfc: {  	v11 =	vld [tilespmem:s10+$0x6C20];
	[tilespmem:s17+$0x1D440] =	vst v9  }
0xfd: {  	v9 =	vld [tilespmem:s10+$0x6C30];
	[tilespmem:s17+$0x1D450] =	vst v10  }
0xfe: {  	v10 =	vld [tilespmem:s10+$0x6C40];
	[tilespmem:s17+$0x1D460] =	vst v8;
	s17 =	smov.u32 s10  }
0xff: {  	v15 =	vld [tilespmem:s17+$0x6C50]  }
0x100: {  	v8 =	vld [tilespmem:s17+$0x6C60]  }
0x101: {  	v16 =	vld.idx.msk [tilespmem:v14+s18+$0x0], $0xffff  }
0x102: {  	v14 =	vld.idx.msk [tilespmem:v13+s18+$0x0], $0xffff  }
.Ltmp4:
0x103: {  	v13 =	vld.idx.msk [tilespmem:v12+s18+$0x0], $0xffff;
	(pc) =	sbr.rel @p0 .LBB2_11-.Ltmp4, $4  }
0x104: {  	v12 =	vld.idx.msk [tilespmem:v11+s18+$0x0], $0xffff  }
0x105: {  	v11 =	vld.idx.msk [tilespmem:v9+s18+$0x0], $0xffff  }
0x106: {  	v9 =	vld.idx.msk [tilespmem:v10+s18+$0x0], $0xffff  }
0x107: {  	s9 =	sadd.s32 $0x200, s9;
	v10 =	vld.idx.msk [tilespmem:v15+s18+$0x0], $0xffff;
	[tilespmem:s17+$0x1D470] =	vst v16  }
0x108: {  	_ =	sdelay $0x2  }
0x109: {  	[tilespmem:s17+$0x1D400] =	vst v14  }
0x10a: {  	v8 =	vld.idx.msk [tilespmem:v8+s18+$0x0], $0xffff;
	[tilespmem:s17+$0x1D410] =	vst v13  }
0x10b: {  	[tilespmem:s17+$0x1D420] =	vst v12  }
0x10c: {  	[tilespmem:s17+$0x1D430] =	vst v11  }
0x10d: {  	[tilespmem:s17+$0x1D440] =	vst v9  }
0x10e: {  	[tilespmem:s17+$0x1D450] =	vst v10  }
0x10f: {  	s9 =	sadd.s32 $0xD80, s28;
	[tilespmem:s17+$0x1D460] =	vst v8  }
0x110: {  	[hbm4b:s9+s6] =	stream.linear.scatter [tilespmem:s0], [sflag:$0x4], $0x2400, $0x38;
	[tilespmem:$0x1F800] =	vst v63  }
0x111: {  	s9 =	sadd.s32 $0x2, s26  }
0x112: {  	p0 =	sge.u32 s9, s15  }
0x113: {  	s10 =	sshll.u32 @!p0 s9, $0x9;
	s9 =	sshll.u32 @!p0 s9, $0x4  }
0x114: {  	s10 =	sand.u32 @!p0 $0xFFFF000, s10;
	s9 =	sand.u32 @!p0 $0x60, s9  }
0x115: {  	s17 =	simm.s32 @!p0 $0x80;
	s9 =	sor.u32 @!p0 s9, s10  }
0x116: {  	s19 =	simm.s32 @!p0 $0x400;
	s11 =	simm.s32 @!p0 $0x9000;
	s10 =	sadd.s32 @!p0 s1, s9  }
0x117: {  	[tilespmem:s11], [sflag:$0x1] =	stream.strided.gather @!p0 [hbm4b:s10+s17], $0x1000, s19, s17, $0x38;
	[tilespmem:$0x1F800] =	vst v63  }
0x118: {  	s12 =	simm.s32 @!p0 $0xA000;
	s11 =	sadd.s32 @!p0 $0x80000, s10  }
0x119: {  	[tilespmem:s12], [sflag:$0x1] =	stream.strided.gather @!p0 [hbm4b:s11+s17], $0x1000, s19, s17, $0x38;
	[tilespmem:$0x1F800] =	vst v63  }
0x11a: {  	s10 =	sadd.s32 @!p0 $0x100000, s10;
	s11 =	simm.s32 @!p0 $0xB000  }
0x11b: {  	[tilespmem:s11], [sflag:$0x1] =	stream.strided.gather @!p0 [hbm4b:s10+s17], $0x1000, s19, s17, $0x38;
	[tilespmem:$0x1F800] =	vst v63  }
0x11c: {  	s10 =	sadd.s32 @!p0 s2, s9;
	s11 =	simm.s32 @!p0 $0xC000  }
0x11d: {  	[tilespmem:s11], [sflag:$0x1] =	stream.strided.gather @!p0 [hbm4b:s10+s17], $0x1000, s19, s17, $0x38;
	[tilespmem:$0x1F800] =	vst v63  }
0x11e: {  	s12 =	simm.s32 @!p0 $0xD000;
	s11 =	sadd.s32 @!p0 $0x80000, s10  }
0x11f: {  	[tilespmem:s12], [sflag:$0x1] =	stream.strided.gather @!p0 [hbm4b:s11+s17], $0x1000, s19, s17, $0x38;
	[tilespmem:$0x1F800] =	vst v63  }
0x120: {  	s10 =	sadd.s32 @!p0 $0x100000, s10;
	s11 =	simm.s32 @!p0 $0xE000  }
0x121: {  	[tilespmem:s11], [sflag:$0x1] =	stream.strided.gather @!p0 [hbm4b:s10+s17], $0x1000, s19, s17, $0x38;
	[tilespmem:$0x1F800] =	vst v63  }
0x122: {  	s9 =	sadd.s32 @!p0 s3, s9;
	s10 =	simm.s32 @!p0 $0xF000  }
0x123: {  	[tilespmem:s10], [sflag:$0x1] =	stream.strided.gather @!p0 [hbm4b:s9+s17], $0x1000, s19, s17, $0x38;
	[tilespmem:$0x1F800] =	vst v63  }
0x124: {  	s11 =	simm.s32 @!p0 $0x10000;
	s10 =	sadd.s32 @!p0 $0x80000, s9  }
0x125: {  	[tilespmem:s11], [sflag:$0x1] =	stream.strided.gather @!p0 [hbm4b:s10+s17], $0x1000, s19, s17, $0x38;
	[tilespmem:$0x1F800] =	vst v63  }
0x126: {  	s9 =	sadd.s32 @!p0 $0x100000, s9;
	s10 =	simm.s32 @!p0 $0x11000  }
0x127: {  	[tilespmem:s10], [sflag:$0x1] =	stream.strided.gather @!p0 [hbm4b:s9+s17], $0x1000, s19, s17, $0x38;
	[tilespmem:$0x1F800] =	vst v63  }
0x128: {  	_ =	swait.ge [sflag:s23], $0x3000  }
0x129: {  	[sflag:s23] =	ssyncset.done $0x0  }
0x12a: {  	[sflag:s23] =	ssyncadd.s32 $0xFFFFD000  }
0x12b: {  	_ =	swait.ge [sflag:s23], $0x3000  }
0x12c: {  	[sflag:s23] =	ssyncset.done $0x0  }
0x12d: {  	[sflag:s23] =	ssyncadd.s32 $0xFFFFD000  }
0x12e: {  	_ =	swait.ge [sflag:s23], $0x3000  }
0x12f: {  	[sflag:s23] =	ssyncset.done $0x0  }
0x130: {  	[sflag:s23] =	ssyncadd.s32 $0xFFFFD000  }
0x131: {  	_ =	swait.ge [sflag:s4], $0x2400  }
0x132: {  	[sflag:s4] =	ssyncset.done $0x0  }
0x133: {  	s19 =	simm.s32 $0x40;
	[sflag:s4] =	ssyncadd.s32 $0xFFFFDC00  }
0x134: {  	v8 =	vld [tilespmem:s19+$0x30]  }
0x135: {  	v9 =	vld [tilespmem:s19+$0xFFFFFFD0]  }
0x136: {  	v10 =	vld [tilespmem:s19+$0xFFFFFFE0]  }
0x137: {  	v11 =	vld [tilespmem:s19+$0xFFFFFFF0]  }
0x138: {  	v12 =	vld [tilespmem:s19+$0x0]  }
0x139: {  	v14 =	vld [tilespmem:s19+$0x10]  }
0x13a: {  	v15 =	vld [tilespmem:s19+$0x20]  }
0x13b: {  	v16 =	vld [tilespmem:s19+$0xFFFFFFC0]  }
0x13c: {  	v17 =	vld.idx.msk [tilespmem:v8+s31+$0x0], $0xffff  }
0x13d: {  	v18 =	vld.idx.msk [tilespmem:v9+s31+$0x0], $0xffff  }
0x13e: {  	v13 =	vld.idx.msk [tilespmem:v10+s31+$0x0], $0xffff  }
0x13f: {  	v11 =	vld.idx.msk [tilespmem:v11+s31+$0x0], $0xffff  }
0x140: {  	v8 =	vld.idx.msk [tilespmem:v12+s31+$0x0], $0xffff  }
0x141: {  	s17 =	simm.s32 $0x1B040;
	v9 =	vld.idx.msk [tilespmem:v14+s31+$0x0], $0xffff  }
0x142: {  	v10 =	vld.idx.msk [tilespmem:v15+s31+$0x0], $0xffff;
	[tilespmem:s17+$0x30] =	vst v17  }
0x143: {  	s9 =	simm.s32 $0xC0;
	s19 =	simm.s32 $0x0;
	v12 =	vld.idx.msk [tilespmem:v16+s31+$0x0], $0xffff;
	[tilespmem:s17+$0xFFFFFFD0] =	vst v18  }
.LBB2_13:
0x144: {  	v14 =	vld [tilespmem:s9+$0x30];
	s19 =	sadd.s32 $0x8, s19;
	[tilespmem:s17+$0xFFFFFFE0] =	vst v13  }
0x145: {  	v13 =	vld [tilespmem:s9+$0xFFFFFFD0];
	p0 =	slt.u32 s19, $0x238;
	[tilespmem:s17+$0xFFFFFFF0] =	vst v11  }
0x146: {  	v11 =	vld [tilespmem:s9+$0xFFFFFFE0];
	[tilespmem:s17+$0x0] =	vst v8  }
0x147: {  	v8 =	vld [tilespmem:s9+$0xFFFFFFF0];
	[tilespmem:s17+$0x10] =	vst v9  }
0x148: {  	v9 =	vld [tilespmem:s9+$0x0];
	[tilespmem:s17+$0x20] =	vst v10  }
0x149: {  	v10 =	vld [tilespmem:s9+$0x10];
	[tilespmem:s17+$0xFFFFFFC0] =	vst v12  }
0x14a: {  	v12 =	vld [tilespmem:s9+$0x20]  }
0x14b: {  	v15 =	vld [tilespmem:s9+$0xFFFFFFC0]  }
0x14c: {  	v14 =	vld.idx.msk [tilespmem:v14+s31+$0x0], $0xffff  }
0x14d: {  	v16 =	vld.idx.msk [tilespmem:v13+s31+$0x0], $0xffff  }
0x14e: {  	v13 =	vld.idx.msk [tilespmem:v11+s31+$0x0], $0xffff  }
.Ltmp5:
0x14f: {  	v11 =	vld.idx.msk [tilespmem:v8+s31+$0x0], $0xffff;
	(pc) =	sbr.rel @p0 .LBB2_13-.Ltmp5, $4  }
0x150: {  	v8 =	vld.idx.msk [tilespmem:v9+s31+$0x0], $0xffff  }
0x151: {  	s17 =	sadd.s32 $0x80, s17;
	v9 =	vld.idx.msk [tilespmem:v10+s31+$0x0], $0xffff  }
0x152: {  	v10 =	vld.idx.msk [tilespmem:v12+s31+$0x0], $0xffff;
	[tilespmem:s17+$0x30] =	vst v14  }
0x153: {  	s9 =	sadd.s32 $0x80, s9;
	v12 =	vld.idx.msk [tilespmem:v15+s31+$0x0], $0xffff;
	[tilespmem:s17+$0xFFFFFFD0] =	vst v16  }
0x154: {  	[tilespmem:s17+$0xFFFFFFE0] =	vst v13  }
0x155: {  	[tilespmem:s17+$0xFFFFFFF0] =	vst v11  }
0x156: {  	[tilespmem:s17+$0x0] =	vst v8  }
0x157: {  	[tilespmem:s17+$0x10] =	vst v9  }
0x158: {  	[tilespmem:s17+$0x20] =	vst v10  }
0x159: {  	s8 =	sadd.s32 s8, s16;
	[tilespmem:s17+$0xFFFFFFC0] =	vst v12  }
0x15a: {  	[hbm4b:s8+s6] =	stream.linear.scatter [tilespmem:s30], [sflag:$0x3], $0x2400, $0x38;
	[tilespmem:$0x1F800] =	vst v63  }
0x15b: {  	_ =	swait.ge [sflag:s22], $0x2400  }
0x15c: {  	[sflag:s22] =	ssyncset.done $0x0  }
0x15d: {  	s19 =	simm.s32 $0x2470;
	[sflag:s22] =	ssyncadd.s32 $0xFFFFDC00  }
0x15e: {  	v8 =	vld [tilespmem:s19+$0x0]  }
0x15f: {  	v9 =	vld [tilespmem:s19+$0xFFFFFFA0]  }
0x160: {  	v10 =	vld [tilespmem:s19+$0xFFFFFFB0]  }
0x161: {  	v11 =	vld [tilespmem:s19+$0xFFFFFFC0]  }
0x162: {  	v12 =	vld [tilespmem:s19+$0xFFFFFFD0]  }
0x163: {  	v14 =	vld [tilespmem:s19+$0xFFFFFFE0]  }
0x164: {  	v15 =	vld [tilespmem:s19+$0xFFFFFFF0]  }
0x165: {  	v16 =	vld [tilespmem:s19+$0xFFFFFF90]  }
0x166: {  	v17 =	vld.idx.msk [tilespmem:v8+s31+$0x0], $0xffff  }
0x167: {  	v18 =	vld.idx.msk [tilespmem:v9+s31+$0x0], $0xffff  }
0x168: {  	v13 =	vld.idx.msk [tilespmem:v10+s31+$0x0], $0xffff  }
0x169: {  	v11 =	vld.idx.msk [tilespmem:v11+s31+$0x0], $0xffff  }
0x16a: {  	v8 =	vld.idx.msk [tilespmem:v12+s31+$0x0], $0xffff  }
0x16b: {  	s8 =	simm.s32 $0x1D440;
	v9 =	vld.idx.msk [tilespmem:v14+s31+$0x0], $0xffff  }
0x16c: {  	v10 =	vld.idx.msk [tilespmem:v15+s31+$0x0], $0xffff;
	[tilespmem:s8+$0x30] =	vst v17  }
0x16d: {  	s9 =	simm.s32 $0x24F0;
	s17 =	simm.s32 $0x0;
	v12 =	vld.idx.msk [tilespmem:v16+s31+$0x0], $0xffff;
	[tilespmem:s8+$0xFFFFFFD0] =	vst v18  }
.LBB2_15:
0x16e: {  	v14 =	vld [tilespmem:s9+$0x0];
	s17 =	sadd.s32 $0x8, s17;
	[tilespmem:s8+$0xFFFFFFE0] =	vst v13  }
0x16f: {  	v13 =	vld [tilespmem:s9+$0xFFFFFFA0];
	p0 =	slt.u32 s17, $0x238;
	[tilespmem:s8+$0xFFFFFFF0] =	vst v11  }
0x170: {  	v11 =	vld [tilespmem:s9+$0xFFFFFFB0];
	[tilespmem:s8+$0x0] =	vst v8  }
0x171: {  	v8 =	vld [tilespmem:s9+$0xFFFFFFC0];
	[tilespmem:s8+$0x10] =	vst v9  }
0x172: {  	v9 =	vld [tilespmem:s9+$0xFFFFFFD0];
	[tilespmem:s8+$0x20] =	vst v10  }
0x173: {  	v10 =	vld [tilespmem:s9+$0xFFFFFFE0];
	[tilespmem:s8+$0xFFFFFFC0] =	vst v12  }
0x174: {  	v12 =	vld [tilespmem:s9+$0xFFFFFFF0]  }
0x175: {  	v15 =	vld [tilespmem:s9+$0xFFFFFF90]  }
0x176: {  	v14 =	vld.idx.msk [tilespmem:v14+s31+$0x0], $0xffff  }
0x177: {  	v16 =	vld.idx.msk [tilespmem:v13+s31+$0x0], $0xffff  }
0x178: {  	v13 =	vld.idx.msk [tilespmem:v11+s31+$0x0], $0xffff  }
.Ltmp6:
0x179: {  	v11 =	vld.idx.msk [tilespmem:v8+s31+$0x0], $0xffff;
	(pc) =	sbr.rel @p0 .LBB2_15-.Ltmp6, $4  }
0x17a: {  	v8 =	vld.idx.msk [tilespmem:v9+s31+$0x0], $0xffff  }
0x17b: {  	s8 =	sadd.s32 $0x80, s8;
	v9 =	vld.idx.msk [tilespmem:v10+s31+$0x0], $0xffff  }
0x17c: {  	v10 =	vld.idx.msk [tilespmem:v12+s31+$0x0], $0xffff;
	[tilespmem:s8+$0x30] =	vst v14  }
0x17d: {  	s9 =	sadd.s32 $0x80, s9;
	v12 =	vld.idx.msk [tilespmem:v15+s31+$0x0], $0xffff;
	[tilespmem:s8+$0xFFFFFFD0] =	vst v16  }
0x17e: {  	[tilespmem:s8+$0xFFFFFFE0] =	vst v13  }
0x17f: {  	[tilespmem:s8+$0xFFFFFFF0] =	vst v11  }
0x180: {  	[tilespmem:s8+$0x0] =	vst v8  }
0x181: {  	[tilespmem:s8+$0x10] =	vst v9  }
0x182: {  	[tilespmem:s8+$0x20] =	vst v10  }
0x183: {  	s19 =	sadd.s32 $0x1680, s28;
	s9 =	simm.s32 $0x0;
	[tilespmem:s8+$0xFFFFFFC0] =	vst v12  }
0x184: {  	[hbm4b:s19+s9] =	stream.linear.scatter [tilespmem:s0], [sflag:$0x4], $0x2400, $0x38;
	[tilespmem:$0x1F800] =	vst v63  }
0x185: {  	_ =	swait.ge [sflag:s4], $0x2400  }
0x186: {  	[sflag:s4] =	ssyncset.done $0x0  }
0x187: {  	s8 =	simm.s32 $0x0;
	[sflag:s4] =	ssyncadd.s32 $0xFFFFDC00  }
0x188: {  	v9 =	vld [tilespmem:s8+$0x4870]  }
0x189: {  	v10 =	vld [tilespmem:s8+$0x4800]  }
0x18a: {  	v11 =	vld [tilespmem:s8+$0x4810]  }
0x18b: {  	v12 =	vld [tilespmem:s8+$0x4820]  }
0x18c: {  	v15 =	vld [tilespmem:s8+$0x4830]  }
0x18d: {  	v16 =	vld [tilespmem:s8+$0x4840]  }
0x18e: {  	v17 =	vld [tilespmem:s8+$0x4850]  }
0x18f: {  	v8 =	vld [tilespmem:s8+$0x4860]  }
0x190: {  	v18 =	vld.idx.msk [tilespmem:v9+s31+$0x0], $0xffff  }
0x191: {  	v14 =	vld.idx.msk [tilespmem:v10+s31+$0x0], $0xffff  }
0x192: {  	v13 =	vld.idx.msk [tilespmem:v11+s31+$0x0], $0xffff  }
0x193: {  	v12 =	vld.idx.msk [tilespmem:v12+s31+$0x0], $0xffff  }
0x194: {  	v11 =	vld.idx.msk [tilespmem:v15+s31+$0x0], $0xffff  }
0x195: {  	v9 =	vld.idx.msk [tilespmem:v16+s31+$0x0], $0xffff  }
0x196: {  	s17 =	simm.s32 $0x0;
	s9 =	simm.s32 $0x200;
	v10 =	vld.idx.msk [tilespmem:v17+s31+$0x0], $0xffff;
	[tilespmem:s8+$0x1B070] =	vst v18  }
.LBB2_17:
0x197: {  	s10 =	sshra.s32 s9, $0x2;
	s17 =	sadd.s32 $0x8, s17;
	[tilespmem:s8+$0x1B000] =	vst v14;
	v8 =	vld.idx.msk [tilespmem:v8+s31+$0x0], $0xffff  }
0x198: {  	v14 =	vld [tilespmem:s10+$0x4870];
	p0 =	slt.u32 s17, $0x238;
	[tilespmem:s8+$0x1B010] =	vst v13  }
0x199: {  	v13 =	vld [tilespmem:s10+$0x4800];
	[tilespmem:s8+$0x1B020] =	vst v12  }
0x19a: {  	v12 =	vld [tilespmem:s10+$0x4810];
	[tilespmem:s8+$0x1B030] =	vst v11  }
0x19b: {  	v11 =	vld [tilespmem:s10+$0x4820];
	[tilespmem:s8+$0x1B040] =	vst v9  }
0x19c: {  	v9 =	vld [tilespmem:s10+$0x4830];
	[tilespmem:s8+$0x1B050] =	vst v10  }
0x19d: {  	v10 =	vld [tilespmem:s10+$0x4840];
	[tilespmem:s8+$0x1B060] =	vst v8;
	s8 =	smov.u32 s10  }
0x19e: {  	v15 =	vld [tilespmem:s8+$0x4850]  }
0x19f: {  	v8 =	vld [tilespmem:s8+$0x4860]  }
0x1a0: {  	v16 =	vld.idx.msk [tilespmem:v14+s31+$0x0], $0xffff  }
0x1a1: {  	v14 =	vld.idx.msk [tilespmem:v13+s31+$0x0], $0xffff  }
.Ltmp7:
0x1a2: {  	v13 =	vld.idx.msk [tilespmem:v12+s31+$0x0], $0xffff;
	(pc) =	sbr.rel @p0 .LBB2_17-.Ltmp7, $4  }
0x1a3: {  	v12 =	vld.idx.msk [tilespmem:v11+s31+$0x0], $0xffff  }
0x1a4: {  	v11 =	vld.idx.msk [tilespmem:v9+s31+$0x0], $0xffff  }
0x1a5: {  	v9 =	vld.idx.msk [tilespmem:v10+s31+$0x0], $0xffff  }
0x1a6: {  	s9 =	sadd.s32 $0x200, s9;
	v10 =	vld.idx.msk [tilespmem:v15+s31+$0x0], $0xffff;
	[tilespmem:s8+$0x1B070] =	vst v16  }
0x1a7: {  	_ =	sdelay $0x2  }
0x1a8: {  	[tilespmem:s8+$0x1B000] =	vst v14  }
0x1a9: {  	v8 =	vld.idx.msk [tilespmem:v8+s31+$0x0], $0xffff;
	[tilespmem:s8+$0x1B010] =	vst v13  }
0x1aa: {  	[tilespmem:s8+$0x1B020] =	vst v12  }
0x1ab: {  	[tilespmem:s8+$0x1B030] =	vst v11  }
0x1ac: {  	[tilespmem:s8+$0x1B040] =	vst v9  }
0x1ad: {  	[tilespmem:s8+$0x1B050] =	vst v10  }
0x1ae: {  	s19 =	sadd.s32 $0x1B00, s28;
	s9 =	simm.s32 $0x0;
	[tilespmem:s8+$0x1B060] =	vst v8  }
0x1af: {  	[hbm4b:s19+s9] =	stream.linear.scatter [tilespmem:s30], [sflag:$0x3], $0x2400, $0x38;
	[tilespmem:$0x1F800] =	vst v63  }
0x1b0: {  	_ =	swait.ge [sflag:s22], $0x2400  }
0x1b1: {  	[sflag:s22] =	ssyncset.done $0x0  }
0x1b2: {  	s8 =	simm.s32 $0x0;
	[sflag:s22] =	ssyncadd.s32 $0xFFFFDC00  }
0x1b3: {  	v9 =	vld [tilespmem:s8+$0x6C70]  }
0x1b4: {  	v10 =	vld [tilespmem:s8+$0x6C00]  }
0x1b5: {  	v11 =	vld [tilespmem:s8+$0x6C10]  }
0x1b6: {  	v12 =	vld [tilespmem:s8+$0x6C20]  }
0x1b7: {  	v15 =	vld [tilespmem:s8+$0x6C30]  }
0x1b8: {  	v16 =	vld [tilespmem:s8+$0x6C40]  }
0x1b9: {  	v17 =	vld [tilespmem:s8+$0x6C50]  }
0x1ba: {  	v8 =	vld [tilespmem:s8+$0x6C60]  }
0x1bb: {  	v18 =	vld.idx.msk [tilespmem:v9+s31+$0x0], $0xffff  }
0x1bc: {  	v14 =	vld.idx.msk [tilespmem:v10+s31+$0x0], $0xffff  }
0x1bd: {  	v13 =	vld.idx.msk [tilespmem:v11+s31+$0x0], $0xffff  }
0x1be: {  	v12 =	vld.idx.msk [tilespmem:v12+s31+$0x0], $0xffff  }
0x1bf: {  	v11 =	vld.idx.msk [tilespmem:v15+s31+$0x0], $0xffff  }
0x1c0: {  	v9 =	vld.idx.msk [tilespmem:v16+s31+$0x0], $0xffff  }
0x1c1: {  	s17 =	simm.s32 $0x0;
	s9 =	simm.s32 $0x200;
	v10 =	vld.idx.msk [tilespmem:v17+s31+$0x0], $0xffff;
	[tilespmem:s8+$0x1D470] =	vst v18  }
.LBB2_19:
0x1c2: {  	s10 =	sshra.s32 s9, $0x2;
	s17 =	sadd.s32 $0x8, s17;
	[tilespmem:s8+$0x1D400] =	vst v14;
	v8 =	vld.idx.msk [tilespmem:v8+s31+$0x0], $0xffff  }
0x1c3: {  	v14 =	vld [tilespmem:s10+$0x6C70];
	p0 =	slt.u32 s17, $0x238;
	[tilespmem:s8+$0x1D410] =	vst v13  }
0x1c4: {  	v13 =	vld [tilespmem:s10+$0x6C00];
	[tilespmem:s8+$0x1D420] =	vst v12  }
0x1c5: {  	v12 =	vld [tilespmem:s10+$0x6C10];
	[tilespmem:s8+$0x1D430] =	vst v11  }
0x1c6: {  	v11 =	vld [tilespmem:s10+$0x6C20];
	[tilespmem:s8+$0x1D440] =	vst v9  }
0x1c7: {  	v9 =	vld [tilespmem:s10+$0x6C30];
	[tilespmem:s8+$0x1D450] =	vst v10  }
0x1c8: {  	v10 =	vld [tilespmem:s10+$0x6C40];
	[tilespmem:s8+$0x1D460] =	vst v8;
	s8 =	smov.u32 s10  }
0x1c9: {  	v15 =	vld [tilespmem:s8+$0x6C50]  }
0x1ca: {  	v8 =	vld [tilespmem:s8+$0x6C60]  }
0x1cb: {  	v16 =	vld.idx.msk [tilespmem:v14+s31+$0x0], $0xffff  }
0x1cc: {  	v14 =	vld.idx.msk [tilespmem:v13+s31+$0x0], $0xffff  }
.Ltmp8:
0x1cd: {  	v13 =	vld.idx.msk [tilespmem:v12+s31+$0x0], $0xffff;
	(pc) =	sbr.rel @p0 .LBB2_19-.Ltmp8, $4  }
0x1ce: {  	v12 =	vld.idx.msk [tilespmem:v11+s31+$0x0], $0xffff  }
0x1cf: {  	v11 =	vld.idx.msk [tilespmem:v9+s31+$0x0], $0xffff  }
0x1d0: {  	v9 =	vld.idx.msk [tilespmem:v10+s31+$0x0], $0xffff  }
0x1d1: {  	s9 =	sadd.s32 $0x200, s9;
	v10 =	vld.idx.msk [tilespmem:v15+s31+$0x0], $0xffff;
	[tilespmem:s8+$0x1D470] =	vst v16  }
0x1d2: {  	_ =	sdelay $0x2  }
0x1d3: {  	[tilespmem:s8+$0x1D400] =	vst v14  }
0x1d4: {  	v8 =	vld.idx.msk [tilespmem:v8+s31+$0x0], $0xffff;
	[tilespmem:s8+$0x1D410] =	vst v13  }
0x1d5: {  	[tilespmem:s8+$0x1D420] =	vst v12  }
0x1d6: {  	[tilespmem:s8+$0x1D430] =	vst v11  }
0x1d7: {  	[tilespmem:s8+$0x1D440] =	vst v9  }
0x1d8: {  	[tilespmem:s8+$0x1D450] =	vst v10  }
0x1d9: {  	s28 =	sadd.s32 $0x1F80, s28;
	[tilespmem:s8+$0x1D460] =	vst v8;
	s8 =	sadd.s32 $0x3, s26  }
0x1da: {  	[hbm4b:s28+s6] =	stream.linear.scatter [tilespmem:s0], [sflag:$0x4], $0x2400, $0x38;
	[tilespmem:$0x1F800] =	vst v63  }
0x1db: {  	p0 =	sge.u32 s8, s15  }
0x1dc: {  	s9 =	sshll.u32 @!p0 s8, $0x9;
	s8 =	sshll.u32 @!p0 s8, $0x4  }
0x1dd: {  	s9 =	sand.u32 @!p0 $0xFFFF000, s9;
	s8 =	sand.u32 @!p0 $0x70, s8  }
0x1de: {  	s10 =	simm.s32 @!p0 $0x80;
	s8 =	sor.u32 @!p0 s8, s9  }
0x1df: {  	s11 =	simm.s32 @!p0 $0x400;
	s12 =	simm.s32 @!p0 $0x12000;
	s9 =	sadd.s32 @!p0 s1, s8  }
0x1e0: {  	[tilespmem:s12], [sflag:$0x2] =	stream.strided.gather @!p0 [hbm4b:s9+s10], $0x1000, s11, s10, $0x38;
	[tilespmem:$0x1F800] =	vst v63  }
0x1e1: {  	s17 =	simm.s32 @!p0 $0x13000;
	s12 =	sadd.s32 @!p0 $0x80000, s9  }
0x1e2: {  	[tilespmem:s17], [sflag:$0x2] =	stream.strided.gather @!p0 [hbm4b:s12+s10], $0x1000, s11, s10, $0x38;
	[tilespmem:$0x1F800] =	vst v63  }
0x1e3: {  	s9 =	sadd.s32 @!p0 $0x100000, s9;
	s12 =	simm.s32 @!p0 $0x14000  }
0x1e4: {  	[tilespmem:s12], [sflag:$0x2] =	stream.strided.gather @!p0 [hbm4b:s9+s10], $0x1000, s11, s10, $0x38;
	[tilespmem:$0x1F800] =	vst v63  }
0x1e5: {  	s9 =	sadd.s32 @!p0 s2, s8;
	s12 =	simm.s32 @!p0 $0x15000  }
0x1e6: {  	[tilespmem:s12], [sflag:$0x2] =	stream.strided.gather @!p0 [hbm4b:s9+s10], $0x1000, s11, s10, $0x38;
	[tilespmem:$0x1F800] =	vst v63  }
0x1e7: {  	s17 =	simm.s32 @!p0 $0x16000;
	s12 =	sadd.s32 @!p0 $0x80000, s9  }
0x1e8: {  	[tilespmem:s17], [sflag:$0x2] =	stream.strided.gather @!p0 [hbm4b:s12+s10], $0x1000, s11, s10, $0x38;
	[tilespmem:$0x1F800] =	vst v63  }
0x1e9: {  	s9 =	sadd.s32 @!p0 $0x100000, s9;
	s12 =	simm.s32 @!p0 $0x17000  }
0x1ea: {  	[tilespmem:s12], [sflag:$0x2] =	stream.strided.gather @!p0 [hbm4b:s9+s10], $0x1000, s11, s10, $0x38;
	[tilespmem:$0x1F800] =	vst v63  }
0x1eb: {  	s8 =	sadd.s32 @!p0 s3, s8;
	s9 =	simm.s32 @!p0 $0x18000  }
0x1ec: {  	[tilespmem:s9], [sflag:$0x2] =	stream.strided.gather @!p0 [hbm4b:s8+s10], $0x1000, s11, s10, $0x38;
	[tilespmem:$0x1F800] =	vst v63  }
0x1ed: {  	s12 =	simm.s32 @!p0 $0x19000;
	s9 =	sadd.s32 @!p0 $0x80000, s8  }
0x1ee: {  	[tilespmem:s12], [sflag:$0x2] =	stream.strided.gather @!p0 [hbm4b:s9+s10], $0x1000, s11, s10, $0x38;
	[tilespmem:$0x1F800] =	vst v63  }
0x1ef: {  	s25 =	sadd.s32 $0x1, s25;
	s8 =	sadd.s32 @!p0 $0x100000, s8;
	s9 =	simm.s32 @!p0 $0x1A000  }
0x1f0: {  	[tilespmem:s9], [sflag:$0x2] =	stream.strided.gather @!p0 [hbm4b:s8+s10], $0x1000, s11, s10, $0x38;
	[tilespmem:$0x1F800] =	vst v63  }
0x1f1: {  	p0 =	sne.s32 s25, $0x10  }
.Ltmp9:
0x1f2: {  	_ = 	snop;
	(pc) =	sbr.rel @p0 .LBB2_4-.Ltmp9, $1  }
0x1f3: {  	_ =	sdelay $0x3  }
0x1f4: {  	_ =	swait.ge [sflag:s4], $0x2400  }
0x1f5: {  	[sflag:s4] =	ssyncset.done $0x0  }
0x1f6: {  	[sflag:s4] =	ssyncadd.s32 $0xFFFFDC00  }
0x1f7: {  	_ =	swait.ge [sflag:s22], $0x2400  }
0x1f8: {  	s24 =	sadd.s32 $0x1, s24;
	s8 =	rddreg [dreg:$0xb]  }
0x1f9: {  	p0 =	sne.s32 s24, s8  }
.Ltmp10:
0x1fa: {  	_ = 	snop;
	(pc) =	sbr.rel @p0 .LBB2_1-.Ltmp10, $3  }
0x1fb: {  	_ =	sdelay $0x1  }
0x1fc: {  	[sflag:s22] =	ssyncset.done $0x0  }
0x1fd: {  	[sflag:s22] =	ssyncadd.s32 $0xFFFFDC00  }
0x1fe: {  	_ =	sfence.sel $0x180000  }
0x1ff: {  	[bflag:$0x0] =	sbarrier.arrive $0xFFFF  }
0x200: {  	_ =	strace $0x90000047  }
0x201: {  	s0 =	stileid.u32;
	[bflag:$0x2] =	sbarrier.arrive $0xFFFF  }
0x202: {  	p0 =	sne.s32 s0, $0x0;
	s0 =	rddreg [dreg:$0x5]  }
0x203: {  	s0 =	sadd.s32 @!p0 $0x100000, s0  }
0x204: {  	[sflag:s0] =	ssyncadd.tile.s32 @!p0 $0x1;
	_ =	shalt  }
.Lfunc_end2:
_tile_overlayer_lowered:
.L_overlay_start_2:
0x205: {  	(tag) =	ssettag $0x2  }
0x206: {  	s0 =	rddreg [dreg:$0x0];
	s2 =	stileid.u32  }
0x207: {  	s1 =	rddreg [dreg:$0x1];
	p0 =	sne.s32 s2, $0x0  }
0x208: {  	s3 =	rddreg [dreg:$0x2];
	[bflag:$0x3] =	sbarrier.arrive $0xFFFF;
	s2 =	simm.s32 @!p0 $0x1C05  }
0x209: {  	[timem:s3], [sflag:s2] =	dma.local @!p0 [hbm:s0], s1  }
0x20a: {  	s0 =	simm.s32 @!p0 $0x5  }
0x20b: {  	_ =	swait.ge @!p0 [sflag:s0], s1  }
0x20c: {  	s1 =	ssub.s32 @!p0 $0x0, s1;
	[sflag:s0] =	ssyncset.done @!p0 $0x0  }
0x20d: {  	[sflag:s0] =	ssyncadd.s32 @!p0 s1  }
0x20e: {  	[bflag:$0x3] =	sbarrier.arrive $0xFFFF  }
0x20f: {  	_ =	shalt  }

</sc_bundles>
